<compile_context>
chip_gen: v7x
topology: tpu7x:2x2x1
jax: 0.10.2.dev20260603
libtpu: 0.0.44.dev20260713+nightly
codegen_flags: <defaults>
</compile_context>

<pallas_src>
import functools

import jax
import jax.numpy as jnp
from jax import lax
from jax.experimental import pallas as pl
from jax.experimental.pallas import tpu as pltpu
from jax.experimental.pallas import tpu_sc as plsc

_K = 1024
_D = 256
_T = 1024
_BETA = 0.25
_BB = 2
_NC = 2
_NS = 16
_NW = _NC * _NS
_CH = 64


def _vq_tc_kernel(has_alias, z_ref, zsq_ref, emb_ref, esq_ref, *rest):
    if has_alias:
        rest = rest[2:]
    (dist_ref, idx_ref, zst_ref, counts_ref, sse_ref,
     acc_counts, acc_sse) = rest
    step = pl.program_id(0)
    nsteps = pl.num_programs(0)
    emb = emb_ref[...]
    esq = esq_ref[...]

    @pl.when(step == 0)
    def _init():
        acc_counts[...] = jnp.zeros_like(acc_counts)
        acc_sse[...] = jnp.zeros_like(acc_sse)

    t = z_ref.shape[2]
    for j in range(_BB):
        z = z_ref[j]
        zsq = zsq_ref[pl.ds(j * t, t), :]
        prod = jax.lax.dot_general(z, emb, (((0,), (1,)), ((), ())),
                                   preferred_element_type=jnp.float32)
        dist = (zsq + esq) - 2.0 * prod
        dist_ref[pl.ds(j * t, t), :] = dist

        rowmin = jnp.min(dist, axis=1, keepdims=True)
        iota_k = jax.lax.broadcasted_iota(jnp.int32, dist.shape, 1)
        tied = dist == rowmin
        idx = jnp.min(jnp.where(tied, iota_k, _K), axis=1).astype(jnp.int32)
        idx_ref[j, 0, :] = idx
        onehot = (iota_k == idx[:, None]).astype(jnp.float32)

        qT = jax.lax.dot_general(emb, onehot, (((0,), (1,)), ((), ())),
                                 preferred_element_type=jnp.float32)
        zst_ref[j] = qT

        acc_counts[...] += jnp.sum(onehot, axis=0, keepdims=True)
        acc_sse[...] += jnp.sum(rowmin).reshape(1, 1)

    @pl.when(step == nsteps - 1)
    def _finalize():
        counts_ref[...] = acc_counts[...]
        sse_ref[...] = acc_sse[...]


def _tc_half(z3, zsq, embedding, esq, half, nsteps, dist_in=None, zst_in=None):
    b2, d, t = z3.shape
    n = 2 * nsteps * _BB * t
    out_shapes = (
        jax.ShapeDtypeStruct((n, _K), jnp.float32),
        jax.ShapeDtypeStruct((b2, 1, t), jnp.int32),
        jax.ShapeDtypeStruct((2 * b2, d, t), jnp.float32),
        jax.ShapeDtypeStruct((1, _K), jnp.float32),
        jax.ShapeDtypeStruct((1, 1), jnp.float32),
    )
    base = half * nsteps
    out_specs = (
        pl.BlockSpec((_BB * t, _K), lambda i: (base + i, 0)),
        pl.BlockSpec((_BB, 1, t), lambda i: (i, 0, 0)),
        pl.BlockSpec((_BB, d, t), lambda i: (base + i, 0, 0)),
        pl.BlockSpec((1, _K), lambda i: (0, 0)),
        pl.BlockSpec((1, 1), lambda i: (0, 0)),
    )
    in_specs = [
        pl.BlockSpec((_BB, d, t), lambda i: (i, 0, 0)),
        pl.BlockSpec((_BB * t, 1), lambda i: (i, 0)),
        pl.BlockSpec((_K, d), lambda i: (0, 0)),
        pl.BlockSpec((1, _K), lambda i: (0, 0)),
    ]
    args = [z3, zsq, embedding, esq]
    aliases = {}
    if dist_in is not None:
        in_specs.append(pl.BlockSpec(memory_space=pl.ANY))
        in_specs.append(pl.BlockSpec(memory_space=pl.ANY))
        args.append(dist_in)
        args.append(zst_in)
        aliases = {4: 0, 5: 2}
    return pl.pallas_call(
        functools.partial(_vq_tc_kernel, dist_in is not None),
        grid=(nsteps,),
        in_specs=in_specs,
        out_specs=out_specs,
        out_shape=out_shapes,
        input_output_aliases=aliases,
        scratch_shapes=[pltpu.VMEM((1, _K), jnp.float32),
                        pltpu.VMEM((1, 1), jnp.float32)],
        compiler_params=pltpu.CompilerParams(
            dimension_semantics=("arbitrary",)),
    )(*args)


def _sc_onehot_body(row_base, tokens, idx_hbm, zeros_hbm, onehot_hbm,
                    idx_v, buf_v):
    b_per_w = tokens // _NW
    nchunks = b_per_w // _CH
    wid = lax.axis_index("s") * _NC + lax.axis_index("c")
    base = wid * b_per_w
    pltpu.sync_copy(idx_hbm.at[pl.ds(base, b_per_w)], idx_v)

    zeros16 = jnp.zeros((16,), jnp.float32)
    ones16 = jnp.ones((16,), jnp.float32)
    pltpu.sync_copy(zeros_hbm, buf_v)

    for c in range(nchunks):
        for g in range(_CH // 16):
            t16 = lax.iota(jnp.int32, 16) + (g * 16)
            i16 = idx_v[pl.ds(c * _CH + g * 16, 16)]
            plsc.store_scatter(buf_v, [t16 * _K + i16], ones16)
        pltpu.sync_copy(
            buf_v,
            onehot_hbm.at[pl.ds((row_base + base + c * _CH) * _K, _CH * _K)])
        if c + 1 < nchunks:
            for g in range(_CH // 16):
                t16 = lax.iota(jnp.int32, 16) + (g * 16)
                i16 = idx_v[pl.ds(c * _CH + g * 16, 16)]
                plsc.store_scatter(buf_v, [t16 * _K + i16], zeros16)


def _sc_mesh():
    return plsc.VectorSubcoreMesh(core_axis_name="c", subcore_axis_name="s",
                                  num_cores=_NC, num_subcores=_NS)


def _sc_onehot_first(idx_flat, n, tokens):
    b_per_w = tokens // _NW
    kern = pl.kernel(
        functools.partial(_sc_onehot_body, 0, tokens),
        out_type=jax.ShapeDtypeStruct((n * _K,), jnp.float32),
        mesh=_sc_mesh(),
        scratch_types=[pltpu.VMEM((b_per_w,), jnp.int32),
                       pltpu.VMEM((_CH * _K,), jnp.float32)],
        compiler_params=pltpu.CompilerParams(needs_layout_passes=False),
    )
    return kern(idx_flat, jnp.zeros((_CH * _K,), jnp.float32))


def _sc_onehot_second(idx_flat, onehot_ref, row_base, tokens):
    b_per_w = tokens // _NW
    kern = pl.kernel(
        functools.partial(_sc_onehot_body, row_base, tokens),
        out_type=(),
        mesh=_sc_mesh(),
        scratch_types=[pltpu.VMEM((b_per_w,), jnp.int32),
                       pltpu.VMEM((_CH * _K,), jnp.float32)],
        compiler_params=pltpu.CompilerParams(needs_layout_passes=False),
    )
    kern(idx_flat, jnp.zeros((_CH * _K,), jnp.float32), onehot_ref)


def _combine_kernel(n_tokens, counts_ref, sse_ref, loss_ref, perp_ref):
    sse = jnp.sum(sse_ref[...])
    loss_ref[...] = ((1.0 + _BETA) * sse / (n_tokens * _D)).reshape(1, 1)
    counts = jnp.sum(counts_ref[...], axis=0, keepdims=True)
    p = counts / n_tokens
    perp_ref[...] = jnp.exp(-jnp.sum(p * jnp.log(p + 1e-10))).reshape(1, 1)


def kernel(z, embedding):
    b, d, h, w = z.shape
    k = embedding.shape[0]
    t = h * w
    n = b * t
    bh = b // 2
    nsteps = bh // _BB
    z3 = z.reshape(b, d, t)
    z_flat = jnp.transpose(z, (0, 2, 3, 1)).reshape(-1, d)
    zsq = jnp.sum(z_flat ** 2, axis=1, keepdims=True)
    esq = jnp.sum(embedding ** 2, axis=1)[None, :]

    dist0, idx0, zst0, counts0, sse0 = _tc_half(
        z3[:bh], zsq[:bh * t], embedding, esq, 0, nsteps)
    onehot0 = _sc_onehot_first(idx0.reshape(bh * t), n, bh * t)
    dist, idx1, zst, counts1, sse1 = _tc_half(
        z3[bh:], zsq[bh * t:], embedding, esq, 1, nsteps,
        dist_in=dist0, zst_in=zst0)
    oh_ref = jax.new_ref(onehot0)
    _sc_onehot_second(idx1.reshape(bh * t), oh_ref, bh * t, bh * t)
    onehot = oh_ref[...].reshape(n, k)

    loss, perp = pl.pallas_call(
        functools.partial(_combine_kernel, n),
        out_shape=(jax.ShapeDtypeStruct((1, 1), jnp.float32),
                   jax.ShapeDtypeStruct((1, 1), jnp.float32)),
    )(jnp.concatenate([counts0, counts1], axis=0),
      jnp.concatenate([sse0, sse1], axis=0))

    z_quantized_st = zst.reshape(b, d, h, w)
    encoding_indices = jnp.concatenate([idx0, idx1], axis=0).reshape(n)
    return (z_quantized_st, loss[0, 0], perp[0, 0], onehot,
            encoding_indices, dist)

# --- scband reference (transcript-rebuilt; emitter-appended) ---
"""Pipeline reference for scband-vector-quantizer-39797166964970 (READ-ONLY COPY).

The authoritative reference and input builder live on the scoring server;
editing this copy changes nothing except your own understanding.
"""

import jax, jax.numpy as jnp
import numpy as np

NUM_EMBEDDINGS = 1024
EMBEDDING_DIM = 256
BETA = 0.25


def setup_inputs(seed: int = 0) -> dict:
    key = jax.random.key(seed)
    k1, k2 = jax.random.split(key)
    z = jax.random.normal(k1, (16, 256, 32, 32), dtype=jnp.float32)
    embedding = jax.random.uniform(
        k2, (NUM_EMBEDDINGS, EMBEDDING_DIM), dtype=jnp.float32,
        minval=-1.0 / NUM_EMBEDDINGS, maxval=1.0 / NUM_EMBEDDINGS)
    return {"z": z, "embedding": embedding}


def reference(z, embedding):
    b, d, h, w = z.shape
    k = embedding.shape[0]
    # rearrange 'b d h w -> (b h w) d'
    z_flat = jnp.transpose(z, (0, 2, 3, 1)).reshape(-1, d)
    distances = (jnp.sum(z_flat ** 2, axis=1, keepdims=True)
                 + jnp.sum(embedding ** 2, axis=1)[None, :]
                 - 2.0 * (z_flat @ embedding.T))
    encoding_indices = jnp.argmin(distances, axis=1)
    encodings_onehot = jax.nn.one_hot(encoding_indices, k, dtype=jnp.float32)
    z_quantized_flat = jnp.take(embedding, encoding_indices, axis=0)
    # rearrange '(b h w) d -> b d h w'
    z_quantized = jnp.transpose(z_quantized_flat.reshape(b, h, w, d), (0, 3, 1, 2))
    loss_encoder = jnp.mean((jax.lax.stop_gradient(z_quantized) - z) ** 2)
    loss_codebook = jnp.mean((z_quantized - jax.lax.stop_gradient(z)) ** 2)
    loss = BETA * loss_encoder + loss_codebook
    z_quantized_st = z + jax.lax.stop_gradient(z_quantized - z)
    encodings_mean = jnp.mean(encodings_onehot, axis=0)
    perplexity = jnp.exp(-jnp.sum(encodings_mean * jnp.log(encodings_mean + 1e-10)))
    return (z_quantized_st, loss, perplexity, encodings_onehot, encoding_indices, distances)

if __name__ == "__main__":
    import jax
    _d = setup_inputs()
    print(jax.jit(kernel)(*tuple(_d.values())))

</pallas_src>

<mosaic_0001>
#map = affine_map<(d0, d1) -> (0)>
module attributes {stable_mosaic.version = 14 : i64} {
  func.func @_sc_onehot_body(%arg0: i32, %arg1: i32, %arg2: memref<8192xi32, #tpu.memory_space<hbm>>, %arg3: memref<65536xf32, #tpu.memory_space<hbm>>, %arg4: memref<16777216xf32, #tpu.memory_space<hbm>>, %arg5: memref<256xi32, #tpu.memory_space<vmem>>, %arg6: memref<65536xf32, #tpu.memory_space<vmem>>) attributes {dimension_semantics = [#tpu.dimension_semantics<core_parallel>, #tpu.dimension_semantics<subcore_parallel>], iteration_bounds = array<i64: 2, 16>, scalar_prefetch = 0 : i64, scratch_operands = 2 : i64, tpu.core_type = #tpu.core_type<sc_vector_subcore>, window_params = [{transform_indices = #map}, {transform_indices = #map}, {transform_indices = #map}]} {
    %mul3A = arith.constant 2 : i32
    %mul3A_0 = arith.muli %arg1, %mul3A : i32
    %add3A = arith.addi %mul3A_0, %arg0 : i32
    %mul3A_1 = arith.constant 256 : i32
    %mul3A_2 = arith.muli %add3A, %mul3A_1 : i32
    "tpu.region"() ({
      %run_scoped3A = tpu.sem_alloc : memref<!tpu.dma_semaphore, #tpu.memory_space<semaphore_mem>>
      %dma_start3A = tpu.memref_slice %arg2[%mul3A_2] : memref<8192xi32, #tpu.memory_space<hbm>> -> memref<256xi32, #tpu.memory_space<hbm>>
      %dma_start3A_308 = tpu.memref_slice %arg2[%mul3A_2] : memref<8192xi32, #tpu.memory_space<hbm>> -> memref<256xi32, #tpu.memory_space<hbm>>
      tpu.enqueue_dma source(%dma_start3A_308 : memref<256xi32, #tpu.memory_space<hbm>>) target(%arg5 : memref<256xi32, #tpu.memory_space<vmem>>) target_semaphore(%run_scoped3A : memref<!tpu.dma_semaphore, #tpu.memory_space<semaphore_mem>>)
      %dma_wait3A = tpu.memref_slice %arg2[%mul3A_2] : memref<8192xi32, #tpu.memory_space<hbm>> -> memref<256xi32, #tpu.memory_space<hbm>>
      %dma_wait3A_309 = tpu.memref_slice %arg2[%mul3A_2] : memref<8192xi32, #tpu.memory_space<hbm>> -> memref<256xi32, #tpu.memory_space<hbm>>
      tpu.wait_dma2 semaphore(%run_scoped3A : memref<!tpu.dma_semaphore, #tpu.memory_space<semaphore_mem>>) src(%dma_wait3A_309 : memref<256xi32, #tpu.memory_space<hbm>>) dst(%arg5 : memref<256xi32, #tpu.memory_space<vmem>>)
      tpu.yield
    }) : () -> ()
    %broadcast_in_dim3A = arith.constant 0.000000e+00 : f32
    %broadcast_in_dim3A_3 = vector.broadcast %broadcast_in_dim3A : f32 to vector<16xf32>
    %broadcast_in_dim3A_4 = arith.constant 1.000000e+00 : f32
    %broadcast_in_dim3A_5 = vector.broadcast %broadcast_in_dim3A_4 : f32 to vector<16xf32>
    "tpu.region"() ({
      %run_scoped3A = tpu.sem_alloc : memref<!tpu.dma_semaphore, #tpu.memory_space<semaphore_mem>>
      tpu.enqueue_dma source(%arg3 : memref<65536xf32, #tpu.memory_space<hbm>>) target(%arg6 : memref<65536xf32, #tpu.memory_space<vmem>>) target_semaphore(%run_scoped3A : memref<!tpu.dma_semaphore, #tpu.memory_space<semaphore_mem>>)
      tpu.wait_dma2 semaphore(%run_scoped3A : memref<!tpu.dma_semaphore, #tpu.memory_space<semaphore_mem>>) src(%arg3 : memref<65536xf32, #tpu.memory_space<hbm>>) dst(%arg6 : memref<65536xf32, #tpu.memory_space<vmem>>)
      tpu.yield
    }) : () -> ()
    %iota3A = tpu.iota {dimensions = array<i32: 0>} : vector<16xi32>
    %add3A_6 = arith.constant 0 : i32
    %add3A_7 = vector.broadcast %add3A_6 : i32 to vector<16xi32>
    %add3A_8 = arith.addi %iota3A, %add3A_7 : vector<16xi32>
    %get3A = arith.constant 0 : index
    %get3A_9 = tpu.vector_load %arg5[%get3A] {strides = array<i32>} : memref<256xi32, #tpu.memory_space<vmem>>, vector<16xi32>,
    %mul3A_10 = arith.constant 1024 : i32
    %mul3A_11 = vector.broadcast %mul3A_10 : i32 to vector<16xi32>
    %mul3A_12 = arith.muli %add3A_8, %mul3A_11 : vector<16xi32>
    %add3A_13 = arith.addi %mul3A_12, %get3A_9 : vector<16xi32>
    tpu.vector_store_idx %arg6[%add3A_13], %broadcast_in_dim3A_5 : memref<65536xf32, #tpu.memory_space<vmem>>[vector<16xi32>], vector<16xf32>,
    %iota3A_14 = tpu.iota {dimensions = array<i32: 0>} : vector<16xi32>
    %add3A_15 = arith.constant 16 : i32
    %add3A_16 = vector.broadcast %add3A_15 : i32 to vector<16xi32>
    %add3A_17 = arith.addi %iota3A_14, %add3A_16 : vector<16xi32>
    %get3A_18 = arith.constant 16 : index
    %get3A_19 = tpu.vector_load %arg5[%get3A_18] {strides = array<i32>} : memref<256xi32, #tpu.memory_space<vmem>>, vector<16xi32>,
    %mul3A_20 = arith.constant 1024 : i32
    %mul3A_21 = vector.broadcast %mul3A_20 : i32 to vector<16xi32>
    %mul3A_22 = arith.muli %add3A_17, %mul3A_21 : vector<16xi32>
    %add3A_23 = arith.addi %mul3A_22, %get3A_19 : vector<16xi32>
    tpu.vector_store_idx %arg6[%add3A_23], %broadcast_in_dim3A_5 : memref<65536xf32, #tpu.memory_space<vmem>>[vector<16xi32>], vector<16xf32>,
    %iota3A_24 = tpu.iota {dimensions = array<i32: 0>} : vector<16xi32>
    %add3A_25 = arith.constant 32 : i32
    %add3A_26 = vector.broadcast %add3A_25 : i32 to vector<16xi32>
    %add3A_27 = arith.addi %iota3A_24, %add3A_26 : vector<16xi32>
    %get3A_28 = arith.constant 32 : index
    %get3A_29 = tpu.vector_load %arg5[%get3A_28] {strides = array<i32>} : memref<256xi32, #tpu.memory_space<vmem>>, vector<16xi32>,
    %mul3A_30 = arith.constant 1024 : i32
    %mul3A_31 = vector.broadcast %mul3A_30 : i32 to vector<16xi32>
    %mul3A_32 = arith.muli %add3A_27, %mul3A_31 : vector<16xi32>
    %add3A_33 = arith.addi %mul3A_32, %get3A_29 : vector<16xi32>
    tpu.vector_store_idx %arg6[%add3A_33], %broadcast_in_dim3A_5 : memref<65536xf32, #tpu.memory_space<vmem>>[vector<16xi32>], vector<16xf32>,
    %iota3A_34 = tpu.iota {dimensions = array<i32: 0>} : vector<16xi32>
    %add3A_35 = arith.constant 48 : i32
    %add3A_36 = vector.broadcast %add3A_35 : i32 to vector<16xi32>
    %add3A_37 = arith.addi %iota3A_34, %add3A_36 : vector<16xi32>
    %get3A_38 = arith.constant 48 : index
    %get3A_39 = tpu.vector_load %arg5[%get3A_38] {strides = array<i32>} : memref<256xi32, #tpu.memory_space<vmem>>, vector<16xi32>,
    %mul3A_40 = arith.constant 1024 : i32
    %mul3A_41 = vector.broadcast %mul3A_40 : i32 to vector<16xi32>
    %mul3A_42 = arith.muli %add3A_37, %mul3A_41 : vector<16xi32>
    %add3A_43 = arith.addi %mul3A_42, %get3A_39 : vector<16xi32>
    tpu.vector_store_idx %arg6[%add3A_43], %broadcast_in_dim3A_5 : memref<65536xf32, #tpu.memory_space<vmem>>[vector<16xi32>], vector<16xf32>,
    %add3A_44 = arith.constant 0 : i32
    %add3A_45 = arith.addi %add3A_44, %mul3A_2 : i32
    %add3A_46 = arith.constant 0 : i32
    %add3A_47 = arith.addi %add3A_45, %add3A_46 : i32
    %mul3A_48 = arith.constant 1024 : i32
    %mul3A_49 = arith.muli %add3A_47, %mul3A_48 : i32
    "tpu.region"() ({
      %run_scoped3A = tpu.sem_alloc : memref<!tpu.dma_semaphore, #tpu.memory_space<semaphore_mem>>
      %dma_start3A = tpu.memref_slice %arg4[%mul3A_49] : memref<16777216xf32, #tpu.memory_space<hbm>> -> memref<65536xf32, #tpu.memory_space<hbm>>
      %dma_start3A_308 = tpu.memref_slice %arg4[%mul3A_49] : memref<16777216xf32, #tpu.memory_space<hbm>> -> memref<65536xf32, #tpu.memory_space<hbm>>
      tpu.enqueue_dma source(%arg6 : memref<65536xf32, #tpu.memory_space<vmem>>) target(%dma_start3A_308 : memref<65536xf32, #tpu.memory_space<hbm>>) target_semaphore(%run_scoped3A : memref<!tpu.dma_semaphore, #tpu.memory_space<semaphore_mem>>)
      %dma_wait3A = tpu.memref_slice %arg4[%mul3A_49] : memref<16777216xf32, #tpu.memory_space<hbm>> -> memref<65536xf32, #tpu.memory_space<hbm>>
      %dma_wait3A_309 = tpu.memref_slice %arg4[%mul3A_49] : memref<16777216xf32, #tpu.memory_space<hbm>> -> memref<65536xf32, #tpu.memory_space<hbm>>
      tpu.wait_dma2 semaphore(%run_scoped3A : memref<!tpu.dma_semaphore, #tpu.memory_space<semaphore_mem>>) src(%arg6 : memref<65536xf32, #tpu.memory_space<vmem>>) dst(%dma_wait3A_309 : memref<65536xf32, #tpu.memory_space<hbm>>)
      tpu.yield
    }) : () -> ()
    %iota3A_50 = tpu.iota {dimensions = array<i32: 0>} : vector<16xi32>
    %add3A_51 = arith.constant 0 : i32
    %add3A_52 = vector.broadcast %add3A_51 : i32 to vector<16xi32>
    %add3A_53 = arith.addi %iota3A_50, %add3A_52 : vector<16xi32>
    %get3A_54 = arith.constant 0 : index
    %get3A_55 = tpu.vector_load %arg5[%get3A_54] {strides = array<i32>} : memref<256xi32, #tpu.memory_space<vmem>>, vector<16xi32>,
    %mul3A_56 = arith.constant 1024 : i32
    %mul3A_57 = vector.broadcast %mul3A_56 : i32 to vector<16xi32>
    %mul3A_58 = arith.muli %add3A_53, %mul3A_57 : vector<16xi32>
    %add3A_59 = arith.addi %mul3A_58, %get3A_55 : vector<16xi32>
    tpu.vector_store_idx %arg6[%add3A_59], %broadcast_in_dim3A_3 : memref<65536xf32, #tpu.memory_space<vmem>>[vector<16xi32>], vector<16xf32>,
    %iota3A_60 = tpu.iota {dimensions = array<i32: 0>} : vector<16xi32>
    %add3A_61 = arith.constant 16 : i32
    %add3A_62 = vector.broadcast %add3A_61 : i32 to vector<16xi32>
    %add3A_63 = arith.addi %iota3A_60, %add3A_62 : vector<16xi32>
    %get3A_64 = arith.constant 16 : index
    %get3A_65 = tpu.vector_load %arg5[%get3A_64] {strides = array<i32>} : memref<256xi32, #tpu.memory_space<vmem>>, vector<16xi32>,
    %mul3A_66 = arith.constant 1024 : i32
    %mul3A_67 = vector.broadcast %mul3A_66 : i32 to vector<16xi32>
    %mul3A_68 = arith.muli %add3A_63, %mul3A_67 : vector<16xi32>
    %add3A_69 = arith.addi %mul3A_68, %get3A_65 : vector<16xi32>
    tpu.vector_store_idx %arg6[%add3A_69], %broadcast_in_dim3A_3 : memref<65536xf32, #tpu.memory_space<vmem>>[vector<16xi32>], vector<16xf32>,
    %iota3A_70 = tpu.iota {dimensions = array<i32: 0>} : vector<16xi32>
    %add3A_71 = arith.constant 32 : i32
    %add3A_72 = vector.broadcast %add3A_71 : i32 to vector<16xi32>
    %add3A_73 = arith.addi %iota3A_70, %add3A_72 : vector<16xi32>
    %get3A_74 = arith.constant 32 : index
    %get3A_75 = tpu.vector_load %arg5[%get3A_74] {strides = array<i32>} : memref<256xi32, #tpu.memory_space<vmem>>, vector<16xi32>,
    %mul3A_76 = arith.constant 1024 : i32
    %mul3A_77 = vector.broadcast %mul3A_76 : i32 to vector<16xi32>
    %mul3A_78 = arith.muli %add3A_73, %mul3A_77 : vector<16xi32>
    %add3A_79 = arith.addi %mul3A_78, %get3A_75 : vector<16xi32>
    tpu.vector_store_idx %arg6[%add3A_79], %broadcast_in_dim3A_3 : memref<65536xf32, #tpu.memory_space<vmem>>[vector<16xi32>], vector<16xf32>,
    %iota3A_80 = tpu.iota {dimensions = array<i32: 0>} : vector<16xi32>
    %add3A_81 = arith.constant 48 : i32
    %add3A_82 = vector.broadcast %add3A_81 : i32 to vector<16xi32>
    %add3A_83 = arith.addi %iota3A_80, %add3A_82 : vector<16xi32>
    %get3A_84 = arith.constant 48 : index
    %get3A_85 = tpu.vector_load %arg5[%get3A_84] {strides = array<i32>} : memref<256xi32, #tpu.memory_space<vmem>>, vector<16xi32>,
    %mul3A_86 = arith.constant 1024 : i32
    %mul3A_87 = vector.broadcast %mul3A_86 : i32 to vector<16xi32>
    %mul3A_88 = arith.muli %add3A_83, %mul3A_87 : vector<16xi32>
    %add3A_89 = arith.addi %mul3A_88, %get3A_85 : vector<16xi32>
    tpu.vector_store_idx %arg6[%add3A_89], %broadcast_in_dim3A_3 : memref<65536xf32, #tpu.memory_space<vmem>>[vector<16xi32>], vector<16xf32>,
    %iota3A_90 = tpu.iota {dimensions = array<i32: 0>} : vector<16xi32>
    %add3A_91 = arith.constant 0 : i32
    %add3A_92 = vector.broadcast %add3A_91 : i32 to vector<16xi32>
    %add3A_93 = arith.addi %iota3A_90, %add3A_92 : vector<16xi32>
    %get3A_94 = arith.constant 64 : index
    %get3A_95 = tpu.vector_load %arg5[%get3A_94] {strides = array<i32>} : memref<256xi32, #tpu.memory_space<vmem>>, vector<16xi32>,
    %mul3A_96 = arith.constant 1024 : i32
    %mul3A_97 = vector.broadcast %mul3A_96 : i32 to vector<16xi32>
    %mul3A_98 = arith.muli %add3A_93, %mul3A_97 : vector<16xi32>
    %add3A_99 = arith.addi %mul3A_98, %get3A_95 : vector<16xi32>
    tpu.vector_store_idx %arg6[%add3A_99], %broadcast_in_dim3A_5 : memref<65536xf32, #tpu.memory_space<vmem>>[vector<16xi32>], vector<16xf32>,
    %iota3A_100 = tpu.iota {dimensions = array<i32: 0>} : vector<16xi32>
    %add3A_101 = arith.constant 16 : i32
    %add3A_102 = vector.broadcast %add3A_101 : i32 to vector<16xi32>
    %add3A_103 = arith.addi %iota3A_100, %add3A_102 : vector<16xi32>
    %get3A_104 = arith.constant 80 : index
    %get3A_105 = tpu.vector_load %arg5[%get3A_104] {strides = array<i32>} : memref<256xi32, #tpu.memory_space<vmem>>, vector<16xi32>,
    %mul3A_106 = arith.constant 1024 : i32
    %mul3A_107 = vector.broadcast %mul3A_106 : i32 to vector<16xi32>
    %mul3A_108 = arith.muli %add3A_103, %mul3A_107 : vector<16xi32>
    %add3A_109 = arith.addi %mul3A_108, %get3A_105 : vector<16xi32>
    tpu.vector_store_idx %arg6[%add3A_109], %broadcast_in_dim3A_5 : memref<65536xf32, #tpu.memory_space<vmem>>[vector<16xi32>], vector<16xf32>,
    %iota3A_110 = tpu.iota {dimensions = array<i32: 0>} : vector<16xi32>
    %add3A_111 = arith.constant 32 : i32
    %add3A_112 = vector.broadcast %add3A_111 : i32 to vector<16xi32>
    %add3A_113 = arith.addi %iota3A_110, %add3A_112 : vector<16xi32>
    %get3A_114 = arith.constant 96 : index
    %get3A_115 = tpu.vector_load %arg5[%get3A_114] {strides = array<i32>} : memref<256xi32, #tpu.memory_space<vmem>>, vector<16xi32>,
    %mul3A_116 = arith.constant 1024 : i32
    %mul3A_117 = vector.broadcast %mul3A_116 : i32 to vector<16xi32>
    %mul3A_118 = arith.muli %add3A_113, %mul3A_117 : vector<16xi32>
    %add3A_119 = arith.addi %mul3A_118, %get3A_115 : vector<16xi32>
    tpu.vector_store_idx %arg6[%add3A_119], %broadcast_in_dim3A_5 : memref<65536xf32, #tpu.memory_space<vmem>>[vector<16xi32>], vector<16xf32>,
    %iota3A_120 = tpu.iota {dimensions = array<i32: 0>} : vector<16xi32>
    %add3A_121 = arith.constant 48 : i32
    %add3A_122 = vector.broadcast %add3A_121 : i32 to vector<16xi32>
    %add3A_123 = arith.addi %iota3A_120, %add3A_122 : vector<16xi32>
    %get3A_124 = arith.constant 112 : index
    %get3A_125 = tpu.vector_load %arg5[%get3A_124] {strides = array<i32>} : memref<256xi32, #tpu.memory_space<vmem>>, vector<16xi32>,
    %mul3A_126 = arith.constant 1024 : i32
    %mul3A_127 = vector.broadcast %mul3A_126 : i32 to vector<16xi32>
    %mul3A_128 = arith.muli %add3A_123, %mul3A_127 : vector<16xi32>
    %add3A_129 = arith.addi %mul3A_128, %get3A_125 : vector<16xi32>
    tpu.vector_store_idx %arg6[%add3A_129], %broadcast_in_dim3A_5 : memref<65536xf32, #tpu.memory_space<vmem>>[vector<16xi32>], vector<16xf32>,
    %add3A_130 = arith.constant 0 : i32
    %add3A_131 = arith.addi %add3A_130, %mul3A_2 : i32
    %add3A_132 = arith.constant 64 : i32
    %add3A_133 = arith.addi %add3A_131, %add3A_132 : i32
    %mul3A_134 = arith.constant 1024 : i32
    %mul3A_135 = arith.muli %add3A_133, %mul3A_134 : i32
    "tpu.region"() ({
      %run_scoped3A = tpu.sem_alloc : memref<!tpu.dma_semaphore, #tpu.memory_space<semaphore_mem>>
      %dma_start3A = tpu.memref_slice %arg4[%mul3A_135] : memref<16777216xf32, #tpu.memory_space<hbm>> -> memref<65536xf32, #tpu.memory_space<hbm>>
      %dma_start3A_308 = tpu.memref_slice %arg4[%mul3A_135] : memref<16777216xf32, #tpu.memory_space<hbm>> -> memref<65536xf32, #tpu.memory_space<hbm>>
      tpu.enqueue_dma source(%arg6 : memref<65536xf32, #tpu.memory_space<vmem>>) target(%dma_start3A_308 : memref<65536xf32, #tpu.memory_space<hbm>>) target_semaphore(%run_scoped3A : memref<!tpu.dma_semaphore, #tpu.memory_space<semaphore_mem>>)
      %dma_wait3A = tpu.memref_slice %arg4[%mul3A_135] : memref<16777216xf32, #tpu.memory_space<hbm>> -> memref<65536xf32, #tpu.memory_space<hbm>>
      %dma_wait3A_309 = tpu.memref_slice %arg4[%mul3A_135] : memref<16777216xf32, #tpu.memory_space<hbm>> -> memref<65536xf32, #tpu.memory_space<hbm>>
      tpu.wait_dma2 semaphore(%run_scoped3A : memref<!tpu.dma_semaphore, #tpu.memory_space<semaphore_mem>>) src(%arg6 : memref<65536xf32, #tpu.memory_space<vmem>>) dst(%dma_wait3A_309 : memref<65536xf32, #tpu.memory_space<hbm>>)
      tpu.yield
    }) : () -> ()
    %iota3A_136 = tpu.iota {dimensions = array<i32: 0>} : vector<16xi32>
    %add3A_137 = arith.constant 0 : i32
    %add3A_138 = vector.broadcast %add3A_137 : i32 to vector<16xi32>
    %add3A_139 = arith.addi %iota3A_136, %add3A_138 : vector<16xi32>
    %get3A_140 = arith.constant 64 : index
    %get3A_141 = tpu.vector_load %arg5[%get3A_140] {strides = array<i32>} : memref<256xi32, #tpu.memory_space<vmem>>, vector<16xi32>,
    %mul3A_142 = arith.constant 1024 : i32
    %mul3A_143 = vector.broadcast %mul3A_142 : i32 to vector<16xi32>
    %mul3A_144 = arith.muli %add3A_139, %mul3A_143 : vector<16xi32>
    %add3A_145 = arith.addi %mul3A_144, %get3A_141 : vector<16xi32>
    tpu.vector_store_idx %arg6[%add3A_145], %broadcast_in_dim3A_3 : memref<65536xf32, #tpu.memory_space<vmem>>[vector<16xi32>], vector<16xf32>,
    %iota3A_146 = tpu.iota {dimensions = array<i32: 0>} : vector<16xi32>
    %add3A_147 = arith.constant 16 : i32
    %add3A_148 = vector.broadcast %add3A_147 : i32 to vector<16xi32>
    %add3A_149 = arith.addi %iota3A_146, %add3A_148 : vector<16xi32>
    %get3A_150 = arith.constant 80 : index
    %get3A_151 = tpu.vector_load %arg5[%get3A_150] {strides = array<i32>} : memref<256xi32, #tpu.memory_space<vmem>>, vector<16xi32>,
    %mul3A_152 = arith.constant 1024 : i32
    %mul3A_153 = vector.broadcast %mul3A_152 : i32 to vector<16xi32>
    %mul3A_154 = arith.muli %add3A_149, %mul3A_153 : vector<16xi32>
    %add3A_155 = arith.addi %mul3A_154, %get3A_151 : vector<16xi32>
    tpu.vector_store_idx %arg6[%add3A_155], %broadcast_in_dim3A_3 : memref<65536xf32, #tpu.memory_space<vmem>>[vector<16xi32>], vector<16xf32>,
    %iota3A_156 = tpu.iota {dimensions = array<i32: 0>} : vector<16xi32>
    %add3A_157 = arith.constant 32 : i32
    %add3A_158 = vector.broadcast %add3A_157 : i32 to vector<16xi32>
    %add3A_159 = arith.addi %iota3A_156, %add3A_158 : vector<16xi32>
    %get3A_160 = arith.constant 96 : index
    %get3A_161 = tpu.vector_load %arg5[%get3A_160] {strides = array<i32>} : memref<256xi32, #tpu.memory_space<vmem>>, vector<16xi32>,
    %mul3A_162 = arith.constant 1024 : i32
    %mul3A_163 = vector.broadcast %mul3A_162 : i32 to vector<16xi32>
    %mul3A_164 = arith.muli %add3A_159, %mul3A_163 : vector<16xi32>
    %add3A_165 = arith.addi %mul3A_164, %get3A_161 : vector<16xi32>
    tpu.vector_store_idx %arg6[%add3A_165], %broadcast_in_dim3A_3 : memref<65536xf32, #tpu.memory_space<vmem>>[vector<16xi32>], vector<16xf32>,
    %iota3A_166 = tpu.iota {dimensions = array<i32: 0>} : vector<16xi32>
    %add3A_167 = arith.constant 48 : i32
    %add3A_168 = vector.broadcast %add3A_167 : i32 to vector<16xi32>
    %add3A_169 = arith.addi %iota3A_166, %add3A_168 : vector<16xi32>
    %get3A_170 = arith.constant 112 : index
    %get3A_171 = tpu.vector_load %arg5[%get3A_170] {strides = array<i32>} : memref<256xi32, #tpu.memory_space<vmem>>, vector<16xi32>,
    %mul3A_172 = arith.constant 1024 : i32
    %mul3A_173 = vector.broadcast %mul3A_172 : i32 to vector<16xi32>
    %mul3A_174 = arith.muli %add3A_169, %mul3A_173 : vector<16xi32>
    %add3A_175 = arith.addi %mul3A_174, %get3A_171 : vector<16xi32>
    tpu.vector_store_idx %arg6[%add3A_175], %broadcast_in_dim3A_3 : memref<65536xf32, #tpu.memory_space<vmem>>[vector<16xi32>], vector<16xf32>,
    %iota3A_176 = tpu.iota {dimensions = array<i32: 0>} : vector<16xi32>
    %add3A_177 = arith.constant 0 : i32
    %add3A_178 = vector.broadcast %add3A_177 : i32 to vector<16xi32>
    %add3A_179 = arith.addi %iota3A_176, %add3A_178 : vector<16xi32>
    %get3A_180 = arith.constant 128 : index
    %get3A_181 = tpu.vector_load %arg5[%get3A_180] {strides = array<i32>} : memref<256xi32, #tpu.memory_space<vmem>>, vector<16xi32>,
    %mul3A_182 = arith.constant 1024 : i32
    %mul3A_183 = vector.broadcast %mul3A_182 : i32 to vector<16xi32>
    %mul3A_184 = arith.muli %add3A_179, %mul3A_183 : vector<16xi32>
    %add3A_185 = arith.addi %mul3A_184, %get3A_181 : vector<16xi32>
    tpu.vector_store_idx %arg6[%add3A_185], %broadcast_in_dim3A_5 : memref<65536xf32, #tpu.memory_space<vmem>>[vector<16xi32>], vector<16xf32>,
    %iota3A_186 = tpu.iota {dimensions = array<i32: 0>} : vector<16xi32>
    %add3A_187 = arith.constant 16 : i32
    %add3A_188 = vector.broadcast %add3A_187 : i32 to vector<16xi32>
    %add3A_189 = arith.addi %iota3A_186, %add3A_188 : vector<16xi32>
    %get3A_190 = arith.constant 144 : index
    %get3A_191 = tpu.vector_load %arg5[%get3A_190] {strides = array<i32>} : memref<256xi32, #tpu.memory_space<vmem>>, vector<16xi32>,
    %mul3A_192 = arith.constant 1024 : i32
    %mul3A_193 = vector.broadcast %mul3A_192 : i32 to vector<16xi32>
    %mul3A_194 = arith.muli %add3A_189, %mul3A_193 : vector<16xi32>
    %add3A_195 = arith.addi %mul3A_194, %get3A_191 : vector<16xi32>
    tpu.vector_store_idx %arg6[%add3A_195], %broadcast_in_dim3A_5 : memref<65536xf32, #tpu.memory_space<vmem>>[vector<16xi32>], vector<16xf32>,
    %iota3A_196 = tpu.iota {dimensions = array<i32: 0>} : vector<16xi32>
    %add3A_197 = arith.constant 32 : i32
    %add3A_198 = vector.broadcast %add3A_197 : i32 to vector<16xi32>
    %add3A_199 = arith.addi %iota3A_196, %add3A_198 : vector<16xi32>
    %get3A_200 = arith.constant 160 : index
    %get3A_201 = tpu.vector_load %arg5[%get3A_200] {strides = array<i32>} : memref<256xi32, #tpu.memory_space<vmem>>, vector<16xi32>,
    %mul3A_202 = arith.constant 1024 : i32
    %mul3A_203 = vector.broadcast %mul3A_202 : i32 to vector<16xi32>
    %mul3A_204 = arith.muli %add3A_199, %mul3A_203 : vector<16xi32>
    %add3A_205 = arith.addi %mul3A_204, %get3A_201 : vector<16xi32>
    tpu.vector_store_idx %arg6[%add3A_205], %broadcast_in_dim3A_5 : memref<65536xf32, #tpu.memory_space<vmem>>[vector<16xi32>], vector<16xf32>,
    %iota3A_206 = tpu.iota {dimensions = array<i32: 0>} : vector<16xi32>
    %add3A_207 = arith.constant 48 : i32
    %add3A_208 = vector.broadcast %add3A_207 : i32 to vector<16xi32>
    %add3A_209 = arith.addi %iota3A_206, %add3A_208 : vector<16xi32>
    %get3A_210 = arith.constant 176 : index
    %get3A_211 = tpu.vector_load %arg5[%get3A_210] {strides = array<i32>} : memref<256xi32, #tpu.memory_space<vmem>>, vector<16xi32>,
    %mul3A_212 = arith.constant 1024 : i32
    %mul3A_213 = vector.broadcast %mul3A_212 : i32 to vector<16xi32>
    %mul3A_214 = arith.muli %add3A_209, %mul3A_213 : vector<16xi32>
    %add3A_215 = arith.addi %mul3A_214, %get3A_211 : vector<16xi32>
    tpu.vector_store_idx %arg6[%add3A_215], %broadcast_in_dim3A_5 : memref<65536xf32, #tpu.memory_space<vmem>>[vector<16xi32>], vector<16xf32>,
    %add3A_216 = arith.constant 0 : i32
    %add3A_217 = arith.addi %add3A_216, %mul3A_2 : i32
    %add3A_218 = arith.constant 128 : i32
    %add3A_219 = arith.addi %add3A_217, %add3A_218 : i32
    %mul3A_220 = arith.constant 1024 : i32
    %mul3A_221 = arith.muli %add3A_219, %mul3A_220 : i32
    "tpu.region"() ({
      %run_scoped3A = tpu.sem_alloc : memref<!tpu.dma_semaphore, #tpu.memory_space<semaphore_mem>>
      %dma_start3A = tpu.memref_slice %arg4[%mul3A_221] : memref<16777216xf32, #tpu.memory_space<hbm>> -> memref<65536xf32, #tpu.memory_space<hbm>>
      %dma_start3A_308 = tpu.memref_slice %arg4[%mul3A_221] : memref<16777216xf32, #tpu.memory_space<hbm>> -> memref<65536xf32, #tpu.memory_space<hbm>>
      tpu.enqueue_dma source(%arg6 : memref<65536xf32, #tpu.memory_space<vmem>>) target(%dma_start3A_308 : memref<65536xf32, #tpu.memory_space<hbm>>) target_semaphore(%run_scoped3A : memref<!tpu.dma_semaphore, #tpu.memory_space<semaphore_mem>>)
      %dma_wait3A = tpu.memref_slice %arg4[%mul3A_221] : memref<16777216xf32, #tpu.memory_space<hbm>> -> memref<65536xf32, #tpu.memory_space<hbm>>
      %dma_wait3A_309 = tpu.memref_slice %arg4[%mul3A_221] : memref<16777216xf32, #tpu.memory_space<hbm>> -> memref<65536xf32, #tpu.memory_space<hbm>>
      tpu.wait_dma2 semaphore(%run_scoped3A : memref<!tpu.dma_semaphore, #tpu.memory_space<semaphore_mem>>) src(%arg6 : memref<65536xf32, #tpu.memory_space<vmem>>) dst(%dma_wait3A_309 : memref<65536xf32, #tpu.memory_space<hbm>>)
      tpu.yield
    }) : () -> ()
    %iota3A_222 = tpu.iota {dimensions = array<i32: 0>} : vector<16xi32>
    %add3A_223 = arith.constant 0 : i32
    %add3A_224 = vector.broadcast %add3A_223 : i32 to vector<16xi32>
    %add3A_225 = arith.addi %iota3A_222, %add3A_224 : vector<16xi32>
    %get3A_226 = arith.constant 128 : index
    %get3A_227 = tpu.vector_load %arg5[%get3A_226] {strides = array<i32>} : memref<256xi32, #tpu.memory_space<vmem>>, vector<16xi32>,
    %mul3A_228 = arith.constant 1024 : i32
    %mul3A_229 = vector.broadcast %mul3A_228 : i32 to vector<16xi32>
    %mul3A_230 = arith.muli %add3A_225, %mul3A_229 : vector<16xi32>
    %add3A_231 = arith.addi %mul3A_230, %get3A_227 : vector<16xi32>
    tpu.vector_store_idx %arg6[%add3A_231], %broadcast_in_dim3A_3 : memref<65536xf32, #tpu.memory_space<vmem>>[vector<16xi32>], vector<16xf32>,
    %iota3A_232 = tpu.iota {dimensions = array<i32: 0>} : vector<16xi32>
    %add3A_233 = arith.constant 16 : i32
    %add3A_234 = vector.broadcast %add3A_233 : i32 to vector<16xi32>
    %add3A_235 = arith.addi %iota3A_232, %add3A_234 : vector<16xi32>
    %get3A_236 = arith.constant 144 : index
    %get3A_237 = tpu.vector_load %arg5[%get3A_236] {strides = array<i32>} : memref<256xi32, #tpu.memory_space<vmem>>, vector<16xi32>,
    %mul3A_238 = arith.constant 1024 : i32
    %mul3A_239 = vector.broadcast %mul3A_238 : i32 to vector<16xi32>
    %mul3A_240 = arith.muli %add3A_235, %mul3A_239 : vector<16xi32>
    %add3A_241 = arith.addi %mul3A_240, %get3A_237 : vector<16xi32>
    tpu.vector_store_idx %arg6[%add3A_241], %broadcast_in_dim3A_3 : memref<65536xf32, #tpu.memory_space<vmem>>[vector<16xi32>], vector<16xf32>,
    %iota3A_242 = tpu.iota {dimensions = array<i32: 0>} : vector<16xi32>
    %add3A_243 = arith.constant 32 : i32
    %add3A_244 = vector.broadcast %add3A_243 : i32 to vector<16xi32>
    %add3A_245 = arith.addi %iota3A_242, %add3A_244 : vector<16xi32>
    %get3A_246 = arith.constant 160 : index
    %get3A_247 = tpu.vector_load %arg5[%get3A_246] {strides = array<i32>} : memref<256xi32, #tpu.memory_space<vmem>>, vector<16xi32>,
    %mul3A_248 = arith.constant 1024 : i32
    %mul3A_249 = vector.broadcast %mul3A_248 : i32 to vector<16xi32>
    %mul3A_250 = arith.muli %add3A_245, %mul3A_249 : vector<16xi32>
    %add3A_251 = arith.addi %mul3A_250, %get3A_247 : vector<16xi32>
    tpu.vector_store_idx %arg6[%add3A_251], %broadcast_in_dim3A_3 : memref<65536xf32, #tpu.memory_space<vmem>>[vector<16xi32>], vector<16xf32>,
    %iota3A_252 = tpu.iota {dimensions = array<i32: 0>} : vector<16xi32>
    %add3A_253 = arith.constant 48 : i32
    %add3A_254 = vector.broadcast %add3A_253 : i32 to vector<16xi32>
    %add3A_255 = arith.addi %iota3A_252, %add3A_254 : vector<16xi32>
    %get3A_256 = arith.constant 176 : index
    %get3A_257 = tpu.vector_load %arg5[%get3A_256] {strides = array<i32>} : memref<256xi32, #tpu.memory_space<vmem>>, vector<16xi32>,
    %mul3A_258 = arith.constant 1024 : i32
    %mul3A_259 = vector.broadcast %mul3A_258 : i32 to vector<16xi32>
    %mul3A_260 = arith.muli %add3A_255, %mul3A_259 : vector<16xi32>
    %add3A_261 = arith.addi %mul3A_260, %get3A_257 : vector<16xi32>
    tpu.vector_store_idx %arg6[%add3A_261], %broadcast_in_dim3A_3 : memref<65536xf32, #tpu.memory_space<vmem>>[vector<16xi32>], vector<16xf32>,
    %iota3A_262 = tpu.iota {dimensions = array<i32: 0>} : vector<16xi32>
    %add3A_263 = arith.constant 0 : i32
    %add3A_264 = vector.broadcast %add3A_263 : i32 to vector<16xi32>
    %add3A_265 = arith.addi %iota3A_262, %add3A_264 : vector<16xi32>
    %get3A_266 = arith.constant 192 : index
    %get3A_267 = tpu.vector_load %arg5[%get3A_266] {strides = array<i32>} : memref<256xi32, #tpu.memory_space<vmem>>, vector<16xi32>,
    %mul3A_268 = arith.constant 1024 : i32
    %mul3A_269 = vector.broadcast %mul3A_268 : i32 to vector<16xi32>
    %mul3A_270 = arith.muli %add3A_265, %mul3A_269 : vector<16xi32>
    %add3A_271 = arith.addi %mul3A_270, %get3A_267 : vector<16xi32>
    tpu.vector_store_idx %arg6[%add3A_271], %broadcast_in_dim3A_5 : memref<65536xf32, #tpu.memory_space<vmem>>[vector<16xi32>], vector<16xf32>,
    %iota3A_272 = tpu.iota {dimensions = array<i32: 0>} : vector<16xi32>
    %add3A_273 = arith.constant 16 : i32
    %add3A_274 = vector.broadcast %add3A_273 : i32 to vector<16xi32>
    %add3A_275 = arith.addi %iota3A_272, %add3A_274 : vector<16xi32>
    %get3A_276 = arith.constant 208 : index
    %get3A_277 = tpu.vector_load %arg5[%get3A_276] {strides = array<i32>} : memref<256xi32, #tpu.memory_space<vmem>>, vector<16xi32>,
    %mul3A_278 = arith.constant 1024 : i32
    %mul3A_279 = vector.broadcast %mul3A_278 : i32 to vector<16xi32>
    %mul3A_280 = arith.muli %add3A_275, %mul3A_279 : vector<16xi32>
    %add3A_281 = arith.addi %mul3A_280, %get3A_277 : vector<16xi32>
    tpu.vector_store_idx %arg6[%add3A_281], %broadcast_in_dim3A_5 : memref<65536xf32, #tpu.memory_space<vmem>>[vector<16xi32>], vector<16xf32>,
    %iota3A_282 = tpu.iota {dimensions = array<i32: 0>} : vector<16xi32>
    %add3A_283 = arith.constant 32 : i32
    %add3A_284 = vector.broadcast %add3A_283 : i32 to vector<16xi32>
    %add3A_285 = arith.addi %iota3A_282, %add3A_284 : vector<16xi32>
    %get3A_286 = arith.constant 224 : index
    %get3A_287 = tpu.vector_load %arg5[%get3A_286] {strides = array<i32>} : memref<256xi32, #tpu.memory_space<vmem>>, vector<16xi32>,
    %mul3A_288 = arith.constant 1024 : i32
    %mul3A_289 = vector.broadcast %mul3A_288 : i32 to vector<16xi32>
    %mul3A_290 = arith.muli %add3A_285, %mul3A_289 : vector<16xi32>
    %add3A_291 = arith.addi %mul3A_290, %get3A_287 : vector<16xi32>
    tpu.vector_store_idx %arg6[%add3A_291], %broadcast_in_dim3A_5 : memref<65536xf32, #tpu.memory_space<vmem>>[vector<16xi32>], vector<16xf32>,
    %iota3A_292 = tpu.iota {dimensions = array<i32: 0>} : vector<16xi32>
    %add3A_293 = arith.constant 48 : i32
    %add3A_294 = vector.broadcast %add3A_293 : i32 to vector<16xi32>
    %add3A_295 = arith.addi %iota3A_292, %add3A_294 : vector<16xi32>
    %get3A_296 = arith.constant 240 : index
    %get3A_297 = tpu.vector_load %arg5[%get3A_296] {strides = array<i32>} : memref<256xi32, #tpu.memory_space<vmem>>, vector<16xi32>,
    %mul3A_298 = arith.constant 1024 : i32
    %mul3A_299 = vector.broadcast %mul3A_298 : i32 to vector<16xi32>
    %mul3A_300 = arith.muli %add3A_295, %mul3A_299 : vector<16xi32>
    %add3A_301 = arith.addi %mul3A_300, %get3A_297 : vector<16xi32>
    tpu.vector_store_idx %arg6[%add3A_301], %broadcast_in_dim3A_5 : memref<65536xf32, #tpu.memory_space<vmem>>[vector<16xi32>], vector<16xf32>,
    %add3A_302 = arith.constant 0 : i32
    %add3A_303 = arith.addi %add3A_302, %mul3A_2 : i32
    %add3A_304 = arith.constant 192 : i32
    %add3A_305 = arith.addi %add3A_303, %add3A_304 : i32
    %mul3A_306 = arith.constant 1024 : i32
    %mul3A_307 = arith.muli %add3A_305, %mul3A_306 : i32
    "tpu.region"() ({
      %run_scoped3A = tpu.sem_alloc : memref<!tpu.dma_semaphore, #tpu.memory_space<semaphore_mem>>
      %dma_start3A = tpu.memref_slice %arg4[%mul3A_307] : memref<16777216xf32, #tpu.memory_space<hbm>> -> memref<65536xf32, #tpu.memory_space<hbm>>
      %dma_start3A_308 = tpu.memref_slice %arg4[%mul3A_307] : memref<16777216xf32, #tpu.memory_space<hbm>> -> memref<65536xf32, #tpu.memory_space<hbm>>
      tpu.enqueue_dma source(%arg6 : memref<65536xf32, #tpu.memory_space<vmem>>) target(%dma_start3A_308 : memref<65536xf32, #tpu.memory_space<hbm>>) target_semaphore(%run_scoped3A : memref<!tpu.dma_semaphore, #tpu.memory_space<semaphore_mem>>)
      %dma_wait3A = tpu.memref_slice %arg4[%mul3A_307] : memref<16777216xf32, #tpu.memory_space<hbm>> -> memref<65536xf32, #tpu.memory_space<hbm>>
      %dma_wait3A_309 = tpu.memref_slice %arg4[%mul3A_307] : memref<16777216xf32, #tpu.memory_space<hbm>> -> memref<65536xf32, #tpu.memory_space<hbm>>
      tpu.wait_dma2 semaphore(%run_scoped3A : memref<!tpu.dma_semaphore, #tpu.memory_space<semaphore_mem>>) src(%arg6 : memref<65536xf32, #tpu.memory_space<vmem>>) dst(%dma_wait3A_309 : memref<65536xf32, #tpu.memory_space<hbm>>)
      tpu.yield
    }) : () -> ()
    return
  }
}

#map = affine_map<(d0, d1) -> (0)>
module attributes {stable_mosaic.version = 14 : i64} {
  func.func @new_body(%arg0: i32, %arg1: i32, %arg2: memref<8192xi32, #tpu.memory_space<hbm>>, %arg3: memref<65536xf32, #tpu.memory_space<hbm>>, %arg4: memref<16777216xf32, #tpu.memory_space<hbm>>, %arg5: memref<16777216xf32, #tpu.memory_space<hbm>>, %arg6: memref<256xi32, #tpu.memory_space<vmem>>, %arg7: memref<65536xf32, #tpu.memory_space<vmem>>) attributes {dimension_semantics = [#tpu.dimension_semantics<core_parallel>, #tpu.dimension_semantics<subcore_parallel>], iteration_bounds = array<i64: 2, 16>, scalar_prefetch = 0 : i64, scratch_operands = 2 : i64, tpu.core_type = #tpu.core_type<sc_vector_subcore>, window_params = [{transform_indices = #map}, {transform_indices = #map}, {transform_indices = #map}, {transform_indices = #map}]} {
    %mul3A = arith.constant 2 : i32
    %mul3A_0 = arith.muli %arg1, %mul3A : i32
    %add3A = arith.addi %mul3A_0, %arg0 : i32
    %mul3A_1 = arith.constant 256 : i32
    %mul3A_2 = arith.muli %add3A, %mul3A_1 : i32
    "tpu.region"() ({
      %run_scoped3A = tpu.sem_alloc : memref<!tpu.dma_semaphore, #tpu.memory_space<semaphore_mem>>
      %dma_start3A = tpu.memref_slice %arg2[%mul3A_2] : memref<8192xi32, #tpu.memory_space<hbm>> -> memref<256xi32, #tpu.memory_space<hbm>>
      %dma_start3A_308 = tpu.memref_slice %arg2[%mul3A_2] : memref<8192xi32, #tpu.memory_space<hbm>> -> memref<256xi32, #tpu.memory_space<hbm>>
      tpu.enqueue_dma source(%dma_start3A_308 : memref<256xi32, #tpu.memory_space<hbm>>) target(%arg6 : memref<256xi32, #tpu.memory_space<vmem>>) target_semaphore(%run_scoped3A : memref<!tpu.dma_semaphore, #tpu.memory_space<semaphore_mem>>)
      %dma_wait3A = tpu.memref_slice %arg2[%mul3A_2] : memref<8192xi32, #tpu.memory_space<hbm>> -> memref<256xi32, #tpu.memory_space<hbm>>
      %dma_wait3A_309 = tpu.memref_slice %arg2[%mul3A_2] : memref<8192xi32, #tpu.memory_space<hbm>> -> memref<256xi32, #tpu.memory_space<hbm>>
      tpu.wait_dma2 semaphore(%run_scoped3A : memref<!tpu.dma_semaphore, #tpu.memory_space<semaphore_mem>>) src(%dma_wait3A_309 : memref<256xi32, #tpu.memory_space<hbm>>) dst(%arg6 : memref<256xi32, #tpu.memory_space<vmem>>)
      tpu.yield
    }) : () -> ()
    %broadcast_in_dim3A = arith.constant 0.000000e+00 : f32
    %broadcast_in_dim3A_3 = vector.broadcast %broadcast_in_dim3A : f32 to vector<16xf32>
    %broadcast_in_dim3A_4 = arith.constant 1.000000e+00 : f32
    %broadcast_in_dim3A_5 = vector.broadcast %broadcast_in_dim3A_4 : f32 to vector<16xf32>
    "tpu.region"() ({
      %run_scoped3A = tpu.sem_alloc : memref<!tpu.dma_semaphore, #tpu.memory_space<semaphore_mem>>
      tpu.enqueue_dma source(%arg3 : memref<65536xf32, #tpu.memory_space<hbm>>) target(%arg7 : memref<65536xf32, #tpu.memory_space<vmem>>) target_semaphore(%run_scoped3A : memref<!tpu.dma_semaphore, #tpu.memory_space<semaphore_mem>>)
      tpu.wait_dma2 semaphore(%run_scoped3A : memref<!tpu.dma_semaphore, #tpu.memory_space<semaphore_mem>>) src(%arg3 : memref<65536xf32, #tpu.memory_space<hbm>>) dst(%arg7 : memref<65536xf32, #tpu.memory_space<vmem>>)
      tpu.yield
    }) : () -> ()
    %iota3A = tpu.iota {dimensions = array<i32: 0>} : vector<16xi32>
    %add3A_6 = arith.constant 0 : i32
    %add3A_7 = vector.broadcast %add3A_6 : i32 to vector<16xi32>
    %add3A_8 = arith.addi %iota3A, %add3A_7 : vector<16xi32>
    %get3A = arith.constant 0 : index
    %get3A_9 = tpu.vector_load %arg6[%get3A] {strides = array<i32>} : memref<256xi32, #tpu.memory_space<vmem>>, vector<16xi32>,
    %mul3A_10 = arith.constant 1024 : i32
    %mul3A_11 = vector.broadcast %mul3A_10 : i32 to vector<16xi32>
    %mul3A_12 = arith.muli %add3A_8, %mul3A_11 : vector<16xi32>
    %add3A_13 = arith.addi %mul3A_12, %get3A_9 : vector<16xi32>
    tpu.vector_store_idx %arg7[%add3A_13], %broadcast_in_dim3A_5 : memref<65536xf32, #tpu.memory_space<vmem>>[vector<16xi32>], vector<16xf32>,
    %iota3A_14 = tpu.iota {dimensions = array<i32: 0>} : vector<16xi32>
    %add3A_15 = arith.constant 16 : i32
    %add3A_16 = vector.broadcast %add3A_15 : i32 to vector<16xi32>
    %add3A_17 = arith.addi %iota3A_14, %add3A_16 : vector<16xi32>
    %get3A_18 = arith.constant 16 : index
    %get3A_19 = tpu.vector_load %arg6[%get3A_18] {strides = array<i32>} : memref<256xi32, #tpu.memory_space<vmem>>, vector<16xi32>,
    %mul3A_20 = arith.constant 1024 : i32
    %mul3A_21 = vector.broadcast %mul3A_20 : i32 to vector<16xi32>
    %mul3A_22 = arith.muli %add3A_17, %mul3A_21 : vector<16xi32>
    %add3A_23 = arith.addi %mul3A_22, %get3A_19 : vector<16xi32>
    tpu.vector_store_idx %arg7[%add3A_23], %broadcast_in_dim3A_5 : memref<65536xf32, #tpu.memory_space<vmem>>[vector<16xi32>], vector<16xf32>,
    %iota3A_24 = tpu.iota {dimensions = array<i32: 0>} : vector<16xi32>
    %add3A_25 = arith.constant 32 : i32
    %add3A_26 = vector.broadcast %add3A_25 : i32 to vector<16xi32>
    %add3A_27 = arith.addi %iota3A_24, %add3A_26 : vector<16xi32>
    %get3A_28 = arith.constant 32 : index
    %get3A_29 = tpu.vector_load %arg6[%get3A_28] {strides = array<i32>} : memref<256xi32, #tpu.memory_space<vmem>>, vector<16xi32>,
    %mul3A_30 = arith.constant 1024 : i32
    %mul3A_31 = vector.broadcast %mul3A_30 : i32 to vector<16xi32>
    %mul3A_32 = arith.muli %add3A_27, %mul3A_31 : vector<16xi32>
    %add3A_33 = arith.addi %mul3A_32, %get3A_29 : vector<16xi32>
    tpu.vector_store_idx %arg7[%add3A_33], %broadcast_in_dim3A_5 : memref<65536xf32, #tpu.memory_space<vmem>>[vector<16xi32>], vector<16xf32>,
    %iota3A_34 = tpu.iota {dimensions = array<i32: 0>} : vector<16xi32>
    %add3A_35 = arith.constant 48 : i32
    %add3A_36 = vector.broadcast %add3A_35 : i32 to vector<16xi32>
    %add3A_37 = arith.addi %iota3A_34, %add3A_36 : vector<16xi32>
    %get3A_38 = arith.constant 48 : index
    %get3A_39 = tpu.vector_load %arg6[%get3A_38] {strides = array<i32>} : memref<256xi32, #tpu.memory_space<vmem>>, vector<16xi32>,
    %mul3A_40 = arith.constant 1024 : i32
    %mul3A_41 = vector.broadcast %mul3A_40 : i32 to vector<16xi32>
    %mul3A_42 = arith.muli %add3A_37, %mul3A_41 : vector<16xi32>
    %add3A_43 = arith.addi %mul3A_42, %get3A_39 : vector<16xi32>
    tpu.vector_store_idx %arg7[%add3A_43], %broadcast_in_dim3A_5 : memref<65536xf32, #tpu.memory_space<vmem>>[vector<16xi32>], vector<16xf32>,
    %add3A_44 = arith.constant 8192 : i32
    %add3A_45 = arith.addi %add3A_44, %mul3A_2 : i32
    %add3A_46 = arith.constant 0 : i32
    %add3A_47 = arith.addi %add3A_45, %add3A_46 : i32
    %mul3A_48 = arith.constant 1024 : i32
    %mul3A_49 = arith.muli %add3A_47, %mul3A_48 : i32
    "tpu.region"() ({
      %run_scoped3A = tpu.sem_alloc : memref<!tpu.dma_semaphore, #tpu.memory_space<semaphore_mem>>
      %dma_start3A = tpu.memref_slice %arg4[%mul3A_49] : memref<16777216xf32, #tpu.memory_space<hbm>> -> memref<65536xf32, #tpu.memory_space<hbm>>
      %dma_start3A_308 = tpu.memref_slice %arg4[%mul3A_49] : memref<16777216xf32, #tpu.memory_space<hbm>> -> memref<65536xf32, #tpu.memory_space<hbm>>
      tpu.enqueue_dma source(%arg7 : memref<65536xf32, #tpu.memory_space<vmem>>) target(%dma_start3A_308 : memref<65536xf32, #tpu.memory_space<hbm>>) target_semaphore(%run_scoped3A : memref<!tpu.dma_semaphore, #tpu.memory_space<semaphore_mem>>)
      %dma_wait3A = tpu.memref_slice %arg4[%mul3A_49] : memref<16777216xf32, #tpu.memory_space<hbm>> -> memref<65536xf32, #tpu.memory_space<hbm>>
      %dma_wait3A_309 = tpu.memref_slice %arg4[%mul3A_49] : memref<16777216xf32, #tpu.memory_space<hbm>> -> memref<65536xf32, #tpu.memory_space<hbm>>
      tpu.wait_dma2 semaphore(%run_scoped3A : memref<!tpu.dma_semaphore, #tpu.memory_space<semaphore_mem>>) src(%arg7 : memref<65536xf32, #tpu.memory_space<vmem>>) dst(%dma_wait3A_309 : memref<65536xf32, #tpu.memory_space<hbm>>)
      tpu.yield
    }) : () -> ()
    %iota3A_50 = tpu.iota {dimensions = array<i32: 0>} : vector<16xi32>
    %add3A_51 = arith.constant 0 : i32
    %add3A_52 = vector.broadcast %add3A_51 : i32 to vector<16xi32>
    %add3A_53 = arith.addi %iota3A_50, %add3A_52 : vector<16xi32>
    %get3A_54 = arith.constant 0 : index
    %get3A_55 = tpu.vector_load %arg6[%get3A_54] {strides = array<i32>} : memref<256xi32, #tpu.memory_space<vmem>>, vector<16xi32>,
    %mul3A_56 = arith.constant 1024 : i32
    %mul3A_57 = vector.broadcast %mul3A_56 : i32 to vector<16xi32>
    %mul3A_58 = arith.muli %add3A_53, %mul3A_57 : vector<16xi32>
    %add3A_59 = arith.addi %mul3A_58, %get3A_55 : vector<16xi32>
    tpu.vector_store_idx %arg7[%add3A_59], %broadcast_in_dim3A_3 : memref<65536xf32, #tpu.memory_space<vmem>>[vector<16xi32>], vector<16xf32>,
    %iota3A_60 = tpu.iota {dimensions = array<i32: 0>} : vector<16xi32>
    %add3A_61 = arith.constant 16 : i32
    %add3A_62 = vector.broadcast %add3A_61 : i32 to vector<16xi32>
    %add3A_63 = arith.addi %iota3A_60, %add3A_62 : vector<16xi32>
    %get3A_64 = arith.constant 16 : index
    %get3A_65 = tpu.vector_load %arg6[%get3A_64] {strides = array<i32>} : memref<256xi32, #tpu.memory_space<vmem>>, vector<16xi32>,
    %mul3A_66 = arith.constant 1024 : i32
    %mul3A_67 = vector.broadcast %mul3A_66 : i32 to vector<16xi32>
    %mul3A_68 = arith.muli %add3A_63, %mul3A_67 : vector<16xi32>
    %add3A_69 = arith.addi %mul3A_68, %get3A_65 : vector<16xi32>
    tpu.vector_store_idx %arg7[%add3A_69], %broadcast_in_dim3A_3 : memref<65536xf32, #tpu.memory_space<vmem>>[vector<16xi32>], vector<16xf32>,
    %iota3A_70 = tpu.iota {dimensions = array<i32: 0>} : vector<16xi32>
    %add3A_71 = arith.constant 32 : i32
    %add3A_72 = vector.broadcast %add3A_71 : i32 to vector<16xi32>
    %add3A_73 = arith.addi %iota3A_70, %add3A_72 : vector<16xi32>
    %get3A_74 = arith.constant 32 : index
    %get3A_75 = tpu.vector_load %arg6[%get3A_74] {strides = array<i32>} : memref<256xi32, #tpu.memory_space<vmem>>, vector<16xi32>,
    %mul3A_76 = arith.constant 1024 : i32
    %mul3A_77 = vector.broadcast %mul3A_76 : i32 to vector<16xi32>
    %mul3A_78 = arith.muli %add3A_73, %mul3A_77 : vector<16xi32>
    %add3A_79 = arith.addi %mul3A_78, %get3A_75 : vector<16xi32>
    tpu.vector_store_idx %arg7[%add3A_79], %broadcast_in_dim3A_3 : memref<65536xf32, #tpu.memory_space<vmem>>[vector<16xi32>], vector<16xf32>,
    %iota3A_80 = tpu.iota {dimensions = array<i32: 0>} : vector<16xi32>
    %add3A_81 = arith.constant 48 : i32
    %add3A_82 = vector.broadcast %add3A_81 : i32 to vector<16xi32>
    %add3A_83 = arith.addi %iota3A_80, %add3A_82 : vector<16xi32>
    %get3A_84 = arith.constant 48 : index
    %get3A_85 = tpu.vector_load %arg6[%get3A_84] {strides = array<i32>} : memref<256xi32, #tpu.memory_space<vmem>>, vector<16xi32>,
    %mul3A_86 = arith.constant 1024 : i32
    %mul3A_87 = vector.broadcast %mul3A_86 : i32 to vector<16xi32>
    %mul3A_88 = arith.muli %add3A_83, %mul3A_87 : vector<16xi32>
    %add3A_89 = arith.addi %mul3A_88, %get3A_85 : vector<16xi32>
    tpu.vector_store_idx %arg7[%add3A_89], %broadcast_in_dim3A_3 : memref<65536xf32, #tpu.memory_space<vmem>>[vector<16xi32>], vector<16xf32>,
    %iota3A_90 = tpu.iota {dimensions = array<i32: 0>} : vector<16xi32>
    %add3A_91 = arith.constant 0 : i32
    %add3A_92 = vector.broadcast %add3A_91 : i32 to vector<16xi32>
    %add3A_93 = arith.addi %iota3A_90, %add3A_92 : vector<16xi32>
    %get3A_94 = arith.constant 64 : index
    %get3A_95 = tpu.vector_load %arg6[%get3A_94] {strides = array<i32>} : memref<256xi32, #tpu.memory_space<vmem>>, vector<16xi32>,
    %mul3A_96 = arith.constant 1024 : i32
    %mul3A_97 = vector.broadcast %mul3A_96 : i32 to vector<16xi32>
    %mul3A_98 = arith.muli %add3A_93, %mul3A_97 : vector<16xi32>
    %add3A_99 = arith.addi %mul3A_98, %get3A_95 : vector<16xi32>
    tpu.vector_store_idx %arg7[%add3A_99], %broadcast_in_dim3A_5 : memref<65536xf32, #tpu.memory_space<vmem>>[vector<16xi32>], vector<16xf32>,
    %iota3A_100 = tpu.iota {dimensions = array<i32: 0>} : vector<16xi32>
    %add3A_101 = arith.constant 16 : i32
    %add3A_102 = vector.broadcast %add3A_101 : i32 to vector<16xi32>
    %add3A_103 = arith.addi %iota3A_100, %add3A_102 : vector<16xi32>
    %get3A_104 = arith.constant 80 : index
    %get3A_105 = tpu.vector_load %arg6[%get3A_104] {strides = array<i32>} : memref<256xi32, #tpu.memory_space<vmem>>, vector<16xi32>,
    %mul3A_106 = arith.constant 1024 : i32
    %mul3A_107 = vector.broadcast %mul3A_106 : i32 to vector<16xi32>
    %mul3A_108 = arith.muli %add3A_103, %mul3A_107 : vector<16xi32>
    %add3A_109 = arith.addi %mul3A_108, %get3A_105 : vector<16xi32>
    tpu.vector_store_idx %arg7[%add3A_109], %broadcast_in_dim3A_5 : memref<65536xf32, #tpu.memory_space<vmem>>[vector<16xi32>], vector<16xf32>,
    %iota3A_110 = tpu.iota {dimensions = array<i32: 0>} : vector<16xi32>
    %add3A_111 = arith.constant 32 : i32
    %add3A_112 = vector.broadcast %add3A_111 : i32 to vector<16xi32>
    %add3A_113 = arith.addi %iota3A_110, %add3A_112 : vector<16xi32>
    %get3A_114 = arith.constant 96 : index
    %get3A_115 = tpu.vector_load %arg6[%get3A_114] {strides = array<i32>} : memref<256xi32, #tpu.memory_space<vmem>>, vector<16xi32>,
    %mul3A_116 = arith.constant 1024 : i32
    %mul3A_117 = vector.broadcast %mul3A_116 : i32 to vector<16xi32>
    %mul3A_118 = arith.muli %add3A_113, %mul3A_117 : vector<16xi32>
    %add3A_119 = arith.addi %mul3A_118, %get3A_115 : vector<16xi32>
    tpu.vector_store_idx %arg7[%add3A_119], %broadcast_in_dim3A_5 : memref<65536xf32, #tpu.memory_space<vmem>>[vector<16xi32>], vector<16xf32>,
    %iota3A_120 = tpu.iota {dimensions = array<i32: 0>} : vector<16xi32>
    %add3A_121 = arith.constant 48 : i32
    %add3A_122 = vector.broadcast %add3A_121 : i32 to vector<16xi32>
    %add3A_123 = arith.addi %iota3A_120, %add3A_122 : vector<16xi32>
    %get3A_124 = arith.constant 112 : index
    %get3A_125 = tpu.vector_load %arg6[%get3A_124] {strides = array<i32>} : memref<256xi32, #tpu.memory_space<vmem>>, vector<16xi32>,
    %mul3A_126 = arith.constant 1024 : i32
    %mul3A_127 = vector.broadcast %mul3A_126 : i32 to vector<16xi32>
    %mul3A_128 = arith.muli %add3A_123, %mul3A_127 : vector<16xi32>
    %add3A_129 = arith.addi %mul3A_128, %get3A_125 : vector<16xi32>
    tpu.vector_store_idx %arg7[%add3A_129], %broadcast_in_dim3A_5 : memref<65536xf32, #tpu.memory_space<vmem>>[vector<16xi32>], vector<16xf32>,
    %add3A_130 = arith.constant 8192 : i32
    %add3A_131 = arith.addi %add3A_130, %mul3A_2 : i32
    %add3A_132 = arith.constant 64 : i32
    %add3A_133 = arith.addi %add3A_131, %add3A_132 : i32
    %mul3A_134 = arith.constant 1024 : i32
    %mul3A_135 = arith.muli %add3A_133, %mul3A_134 : i32
    "tpu.region"() ({
      %run_scoped3A = tpu.sem_alloc : memref<!tpu.dma_semaphore, #tpu.memory_space<semaphore_mem>>
      %dma_start3A = tpu.memref_slice %arg4[%mul3A_135] : memref<16777216xf32, #tpu.memory_space<hbm>> -> memref<65536xf32, #tpu.memory_space<hbm>>
      %dma_start3A_308 = tpu.memref_slice %arg4[%mul3A_135] : memref<16777216xf32, #tpu.memory_space<hbm>> -> memref<65536xf32, #tpu.memory_space<hbm>>
      tpu.enqueue_dma source(%arg7 : memref<65536xf32, #tpu.memory_space<vmem>>) target(%dma_start3A_308 : memref<65536xf32, #tpu.memory_space<hbm>>) target_semaphore(%run_scoped3A : memref<!tpu.dma_semaphore, #tpu.memory_space<semaphore_mem>>)
      %dma_wait3A = tpu.memref_slice %arg4[%mul3A_135] : memref<16777216xf32, #tpu.memory_space<hbm>> -> memref<65536xf32, #tpu.memory_space<hbm>>
      %dma_wait3A_309 = tpu.memref_slice %arg4[%mul3A_135] : memref<16777216xf32, #tpu.memory_space<hbm>> -> memref<65536xf32, #tpu.memory_space<hbm>>
      tpu.wait_dma2 semaphore(%run_scoped3A : memref<!tpu.dma_semaphore, #tpu.memory_space<semaphore_mem>>) src(%arg7 : memref<65536xf32, #tpu.memory_space<vmem>>) dst(%dma_wait3A_309 : memref<65536xf32, #tpu.memory_space<hbm>>)
      tpu.yield
    }) : () -> ()
    %iota3A_136 = tpu.iota {dimensions = array<i32: 0>} : vector<16xi32>
    %add3A_137 = arith.constant 0 : i32
    %add3A_138 = vector.broadcast %add3A_137 : i32 to vector<16xi32>
    %add3A_139 = arith.addi %iota3A_136, %add3A_138 : vector<16xi32>
    %get3A_140 = arith.constant 64 : index
    %get3A_141 = tpu.vector_load %arg6[%get3A_140] {strides = array<i32>} : memref<256xi32, #tpu.memory_space<vmem>>, vector<16xi32>,
    %mul3A_142 = arith.constant 1024 : i32
    %mul3A_143 = vector.broadcast %mul3A_142 : i32 to vector<16xi32>
    %mul3A_144 = arith.muli %add3A_139, %mul3A_143 : vector<16xi32>
    %add3A_145 = arith.addi %mul3A_144, %get3A_141 : vector<16xi32>
    tpu.vector_store_idx %arg7[%add3A_145], %broadcast_in_dim3A_3 : memref<65536xf32, #tpu.memory_space<vmem>>[vector<16xi32>], vector<16xf32>,
    %iota3A_146 = tpu.iota {dimensions = array<i32: 0>} : vector<16xi32>
    %add3A_147 = arith.constant 16 : i32
    %add3A_148 = vector.broadcast %add3A_147 : i32 to vector<16xi32>
    %add3A_149 = arith.addi %iota3A_146, %add3A_148 : vector<16xi32>
    %get3A_150 = arith.constant 80 : index
    %get3A_151 = tpu.vector_load %arg6[%get3A_150] {strides = array<i32>} : memref<256xi32, #tpu.memory_space<vmem>>, vector<16xi32>,
    %mul3A_152 = arith.constant 1024 : i32
    %mul3A_153 = vector.broadcast %mul3A_152 : i32 to vector<16xi32>
    %mul3A_154 = arith.muli %add3A_149, %mul3A_153 : vector<16xi32>
    %add3A_155 = arith.addi %mul3A_154, %get3A_151 : vector<16xi32>
    tpu.vector_store_idx %arg7[%add3A_155], %broadcast_in_dim3A_3 : memref<65536xf32, #tpu.memory_space<vmem>>[vector<16xi32>], vector<16xf32>,
    %iota3A_156 = tpu.iota {dimensions = array<i32: 0>} : vector<16xi32>
    %add3A_157 = arith.constant 32 : i32
    %add3A_158 = vector.broadcast %add3A_157 : i32 to vector<16xi32>
    %add3A_159 = arith.addi %iota3A_156, %add3A_158 : vector<16xi32>
    %get3A_160 = arith.constant 96 : index
    %get3A_161 = tpu.vector_load %arg6[%get3A_160] {strides = array<i32>} : memref<256xi32, #tpu.memory_space<vmem>>, vector<16xi32>,
    %mul3A_162 = arith.constant 1024 : i32
    %mul3A_163 = vector.broadcast %mul3A_162 : i32 to vector<16xi32>
    %mul3A_164 = arith.muli %add3A_159, %mul3A_163 : vector<16xi32>
    %add3A_165 = arith.addi %mul3A_164, %get3A_161 : vector<16xi32>
    tpu.vector_store_idx %arg7[%add3A_165], %broadcast_in_dim3A_3 : memref<65536xf32, #tpu.memory_space<vmem>>[vector<16xi32>], vector<16xf32>,
    %iota3A_166 = tpu.iota {dimensions = array<i32: 0>} : vector<16xi32>
    %add3A_167 = arith.constant 48 : i32
    %add3A_168 = vector.broadcast %add3A_167 : i32 to vector<16xi32>
    %add3A_169 = arith.addi %iota3A_166, %add3A_168 : vector<16xi32>
    %get3A_170 = arith.constant 112 : index
    %get3A_171 = tpu.vector_load %arg6[%get3A_170] {strides = array<i32>} : memref<256xi32, #tpu.memory_space<vmem>>, vector<16xi32>,
    %mul3A_172 = arith.constant 1024 : i32
    %mul3A_173 = vector.broadcast %mul3A_172 : i32 to vector<16xi32>
    %mul3A_174 = arith.muli %add3A_169, %mul3A_173 : vector<16xi32>
    %add3A_175 = arith.addi %mul3A_174, %get3A_171 : vector<16xi32>
    tpu.vector_store_idx %arg7[%add3A_175], %broadcast_in_dim3A_3 : memref<65536xf32, #tpu.memory_space<vmem>>[vector<16xi32>], vector<16xf32>,
    %iota3A_176 = tpu.iota {dimensions = array<i32: 0>} : vector<16xi32>
    %add3A_177 = arith.constant 0 : i32
    %add3A_178 = vector.broadcast %add3A_177 : i32 to vector<16xi32>
    %add3A_179 = arith.addi %iota3A_176, %add3A_178 : vector<16xi32>
    %get3A_180 = arith.constant 128 : index
    %get3A_181 = tpu.vector_load %arg6[%get3A_180] {strides = array<i32>} : memref<256xi32, #tpu.memory_space<vmem>>, vector<16xi32>,
    %mul3A_182 = arith.constant 1024 : i32
    %mul3A_183 = vector.broadcast %mul3A_182 : i32 to vector<16xi32>
    %mul3A_184 = arith.muli %add3A_179, %mul3A_183 : vector<16xi32>
    %add3A_185 = arith.addi %mul3A_184, %get3A_181 : vector<16xi32>
    tpu.vector_store_idx %arg7[%add3A_185], %broadcast_in_dim3A_5 : memref<65536xf32, #tpu.memory_space<vmem>>[vector<16xi32>], vector<16xf32>,
    %iota3A_186 = tpu.iota {dimensions = array<i32: 0>} : vector<16xi32>
    %add3A_187 = arith.constant 16 : i32
    %add3A_188 = vector.broadcast %add3A_187 : i32 to vector<16xi32>
    %add3A_189 = arith.addi %iota3A_186, %add3A_188 : vector<16xi32>
    %get3A_190 = arith.constant 144 : index
    %get3A_191 = tpu.vector_load %arg6[%get3A_190] {strides = array<i32>} : memref<256xi32, #tpu.memory_space<vmem>>, vector<16xi32>,
    %mul3A_192 = arith.constant 1024 : i32
    %mul3A_193 = vector.broadcast %mul3A_192 : i32 to vector<16xi32>
    %mul3A_194 = arith.muli %add3A_189, %mul3A_193 : vector<16xi32>
    %add3A_195 = arith.addi %mul3A_194, %get3A_191 : vector<16xi32>
    tpu.vector_store_idx %arg7[%add3A_195], %broadcast_in_dim3A_5 : memref<65536xf32, #tpu.memory_space<vmem>>[vector<16xi32>], vector<16xf32>,
    %iota3A_196 = tpu.iota {dimensions = array<i32: 0>} : vector<16xi32>
    %add3A_197 = arith.constant 32 : i32
    %add3A_198 = vector.broadcast %add3A_197 : i32 to vector<16xi32>
    %add3A_199 = arith.addi %iota3A_196, %add3A_198 : vector<16xi32>
    %get3A_200 = arith.constant 160 : index
    %get3A_201 = tpu.vector_load %arg6[%get3A_200] {strides = array<i32>} : memref<256xi32, #tpu.memory_space<vmem>>, vector<16xi32>,
    %mul3A_202 = arith.constant 1024 : i32
    %mul3A_203 = vector.broadcast %mul3A_202 : i32 to vector<16xi32>
    %mul3A_204 = arith.muli %add3A_199, %mul3A_203 : vector<16xi32>
    %add3A_205 = arith.addi %mul3A_204, %get3A_201 : vector<16xi32>
    tpu.vector_store_idx %arg7[%add3A_205], %broadcast_in_dim3A_5 : memref<65536xf32, #tpu.memory_space<vmem>>[vector<16xi32>], vector<16xf32>,
    %iota3A_206 = tpu.iota {dimensions = array<i32: 0>} : vector<16xi32>
    %add3A_207 = arith.constant 48 : i32
    %add3A_208 = vector.broadcast %add3A_207 : i32 to vector<16xi32>
    %add3A_209 = arith.addi %iota3A_206, %add3A_208 : vector<16xi32>
    %get3A_210 = arith.constant 176 : index
    %get3A_211 = tpu.vector_load %arg6[%get3A_210] {strides = array<i32>} : memref<256xi32, #tpu.memory_space<vmem>>, vector<16xi32>,
    %mul3A_212 = arith.constant 1024 : i32
    %mul3A_213 = vector.broadcast %mul3A_212 : i32 to vector<16xi32>
    %mul3A_214 = arith.muli %add3A_209, %mul3A_213 : vector<16xi32>
    %add3A_215 = arith.addi %mul3A_214, %get3A_211 : vector<16xi32>
    tpu.vector_store_idx %arg7[%add3A_215], %broadcast_in_dim3A_5 : memref<65536xf32, #tpu.memory_space<vmem>>[vector<16xi32>], vector<16xf32>,
    %add3A_216 = arith.constant 8192 : i32
    %add3A_217 = arith.addi %add3A_216, %mul3A_2 : i32
    %add3A_218 = arith.constant 128 : i32
    %add3A_219 = arith.addi %add3A_217, %add3A_218 : i32
    %mul3A_220 = arith.constant 1024 : i32
    %mul3A_221 = arith.muli %add3A_219, %mul3A_220 : i32
    "tpu.region"() ({
      %run_scoped3A = tpu.sem_alloc : memref<!tpu.dma_semaphore, #tpu.memory_space<semaphore_mem>>
      %dma_start3A = tpu.memref_slice %arg4[%mul3A_221] : memref<16777216xf32, #tpu.memory_space<hbm>> -> memref<65536xf32, #tpu.memory_space<hbm>>
      %dma_start3A_308 = tpu.memref_slice %arg4[%mul3A_221] : memref<16777216xf32, #tpu.memory_space<hbm>> -> memref<65536xf32, #tpu.memory_space<hbm>>
      tpu.enqueue_dma source(%arg7 : memref<65536xf32, #tpu.memory_space<vmem>>) target(%dma_start3A_308 : memref<65536xf32, #tpu.memory_space<hbm>>) target_semaphore(%run_scoped3A : memref<!tpu.dma_semaphore, #tpu.memory_space<semaphore_mem>>)
      %dma_wait3A = tpu.memref_slice %arg4[%mul3A_221] : memref<16777216xf32, #tpu.memory_space<hbm>> -> memref<65536xf32, #tpu.memory_space<hbm>>
      %dma_wait3A_309 = tpu.memref_slice %arg4[%mul3A_221] : memref<16777216xf32, #tpu.memory_space<hbm>> -> memref<65536xf32, #tpu.memory_space<hbm>>
      tpu.wait_dma2 semaphore(%run_scoped3A : memref<!tpu.dma_semaphore, #tpu.memory_space<semaphore_mem>>) src(%arg7 : memref<65536xf32, #tpu.memory_space<vmem>>) dst(%dma_wait3A_309 : memref<65536xf32, #tpu.memory_space<hbm>>)
      tpu.yield
    }) : () -> ()
    %iota3A_222 = tpu.iota {dimensions = array<i32: 0>} : vector<16xi32>
    %add3A_223 = arith.constant 0 : i32
    %add3A_224 = vector.broadcast %add3A_223 : i32 to vector<16xi32>
    %add3A_225 = arith.addi %iota3A_222, %add3A_224 : vector<16xi32>
    %get3A_226 = arith.constant 128 : index
    %get3A_227 = tpu.vector_load %arg6[%get3A_226] {strides = array<i32>} : memref<256xi32, #tpu.memory_space<vmem>>, vector<16xi32>,
    %mul3A_228 = arith.constant 1024 : i32
    %mul3A_229 = vector.broadcast %mul3A_228 : i32 to vector<16xi32>
    %mul3A_230 = arith.muli %add3A_225, %mul3A_229 : vector<16xi32>
    %add3A_231 = arith.addi %mul3A_230, %get3A_227 : vector<16xi32>
    tpu.vector_store_idx %arg7[%add3A_231], %broadcast_in_dim3A_3 : memref<65536xf32, #tpu.memory_space<vmem>>[vector<16xi32>], vector<16xf32>,
    %iota3A_232 = tpu.iota {dimensions = array<i32: 0>} : vector<16xi32>
    %add3A_233 = arith.constant 16 : i32
    %add3A_234 = vector.broadcast %add3A_233 : i32 to vector<16xi32>
    %add3A_235 = arith.addi %iota3A_232, %add3A_234 : vector<16xi32>
    %get3A_236 = arith.constant 144 : index
    %get3A_237 = tpu.vector_load %arg6[%get3A_236] {strides = array<i32>} : memref<256xi32, #tpu.memory_space<vmem>>, vector<16xi32>,
    %mul3A_238 = arith.constant 1024 : i32
    %mul3A_239 = vector.broadcast %mul3A_238 : i32 to vector<16xi32>
    %mul3A_240 = arith.muli %add3A_235, %mul3A_239 : vector<16xi32>
    %add3A_241 = arith.addi %mul3A_240, %get3A_237 : vector<16xi32>
    tpu.vector_store_idx %arg7[%add3A_241], %broadcast_in_dim3A_3 : memref<65536xf32, #tpu.memory_space<vmem>>[vector<16xi32>], vector<16xf32>,
    %iota3A_242 = tpu.iota {dimensions = array<i32: 0>} : vector<16xi32>
    %add3A_243 = arith.constant 32 : i32
    %add3A_244 = vector.broadcast %add3A_243 : i32 to vector<16xi32>
    %add3A_245 = arith.addi %iota3A_242, %add3A_244 : vector<16xi32>
    %get3A_246 = arith.constant 160 : index
    %get3A_247 = tpu.vector_load %arg6[%get3A_246] {strides = array<i32>} : memref<256xi32, #tpu.memory_space<vmem>>, vector<16xi32>,
    %mul3A_248 = arith.constant 1024 : i32
    %mul3A_249 = vector.broadcast %mul3A_248 : i32 to vector<16xi32>
    %mul3A_250 = arith.muli %add3A_245, %mul3A_249 : vector<16xi32>
    %add3A_251 = arith.addi %mul3A_250, %get3A_247 : vector<16xi32>
    tpu.vector_store_idx %arg7[%add3A_251], %broadcast_in_dim3A_3 : memref<65536xf32, #tpu.memory_space<vmem>>[vector<16xi32>], vector<16xf32>,
    %iota3A_252 = tpu.iota {dimensions = array<i32: 0>} : vector<16xi32>
    %add3A_253 = arith.constant 48 : i32
    %add3A_254 = vector.broadcast %add3A_253 : i32 to vector<16xi32>
    %add3A_255 = arith.addi %iota3A_252, %add3A_254 : vector<16xi32>
    %get3A_256 = arith.constant 176 : index
    %get3A_257 = tpu.vector_load %arg6[%get3A_256] {strides = array<i32>} : memref<256xi32, #tpu.memory_space<vmem>>, vector<16xi32>,
    %mul3A_258 = arith.constant 1024 : i32
    %mul3A_259 = vector.broadcast %mul3A_258 : i32 to vector<16xi32>
    %mul3A_260 = arith.muli %add3A_255, %mul3A_259 : vector<16xi32>
    %add3A_261 = arith.addi %mul3A_260, %get3A_257 : vector<16xi32>
    tpu.vector_store_idx %arg7[%add3A_261], %broadcast_in_dim3A_3 : memref<65536xf32, #tpu.memory_space<vmem>>[vector<16xi32>], vector<16xf32>,
    %iota3A_262 = tpu.iota {dimensions = array<i32: 0>} : vector<16xi32>
    %add3A_263 = arith.constant 0 : i32
    %add3A_264 = vector.broadcast %add3A_263 : i32 to vector<16xi32>
    %add3A_265 = arith.addi %iota3A_262, %add3A_264 : vector<16xi32>
    %get3A_266 = arith.constant 192 : index
    %get3A_267 = tpu.vector_load %arg6[%get3A_266] {strides = array<i32>} : memref<256xi32, #tpu.memory_space<vmem>>, vector<16xi32>,
    %mul3A_268 = arith.constant 1024 : i32
    %mul3A_269 = vector.broadcast %mul3A_268 : i32 to vector<16xi32>
    %mul3A_270 = arith.muli %add3A_265, %mul3A_269 : vector<16xi32>
    %add3A_271 = arith.addi %mul3A_270, %get3A_267 : vector<16xi32>
    tpu.vector_store_idx %arg7[%add3A_271], %broadcast_in_dim3A_5 : memref<65536xf32, #tpu.memory_space<vmem>>[vector<16xi32>], vector<16xf32>,
    %iota3A_272 = tpu.iota {dimensions = array<i32: 0>} : vector<16xi32>
    %add3A_273 = arith.constant 16 : i32
    %add3A_274 = vector.broadcast %add3A_273 : i32 to vector<16xi32>
    %add3A_275 = arith.addi %iota3A_272, %add3A_274 : vector<16xi32>
    %get3A_276 = arith.constant 208 : index
    %get3A_277 = tpu.vector_load %arg6[%get3A_276] {strides = array<i32>} : memref<256xi32, #tpu.memory_space<vmem>>, vector<16xi32>,
    %mul3A_278 = arith.constant 1024 : i32
    %mul3A_279 = vector.broadcast %mul3A_278 : i32 to vector<16xi32>
    %mul3A_280 = arith.muli %add3A_275, %mul3A_279 : vector<16xi32>
    %add3A_281 = arith.addi %mul3A_280, %get3A_277 : vector<16xi32>
    tpu.vector_store_idx %arg7[%add3A_281], %broadcast_in_dim3A_5 : memref<65536xf32, #tpu.memory_space<vmem>>[vector<16xi32>], vector<16xf32>,
    %iota3A_282 = tpu.iota {dimensions = array<i32: 0>} : vector<16xi32>
    %add3A_283 = arith.constant 32 : i32
    %add3A_284 = vector.broadcast %add3A_283 : i32 to vector<16xi32>
    %add3A_285 = arith.addi %iota3A_282, %add3A_284 : vector<16xi32>
    %get3A_286 = arith.constant 224 : index
    %get3A_287 = tpu.vector_load %arg6[%get3A_286] {strides = array<i32>} : memref<256xi32, #tpu.memory_space<vmem>>, vector<16xi32>,
    %mul3A_288 = arith.constant 1024 : i32
    %mul3A_289 = vector.broadcast %mul3A_288 : i32 to vector<16xi32>
    %mul3A_290 = arith.muli %add3A_285, %mul3A_289 : vector<16xi32>
    %add3A_291 = arith.addi %mul3A_290, %get3A_287 : vector<16xi32>
    tpu.vector_store_idx %arg7[%add3A_291], %broadcast_in_dim3A_5 : memref<65536xf32, #tpu.memory_space<vmem>>[vector<16xi32>], vector<16xf32>,
    %iota3A_292 = tpu.iota {dimensions = array<i32: 0>} : vector<16xi32>
    %add3A_293 = arith.constant 48 : i32
    %add3A_294 = vector.broadcast %add3A_293 : i32 to vector<16xi32>
    %add3A_295 = arith.addi %iota3A_292, %add3A_294 : vector<16xi32>
    %get3A_296 = arith.constant 240 : index
    %get3A_297 = tpu.vector_load %arg6[%get3A_296] {strides = array<i32>} : memref<256xi32, #tpu.memory_space<vmem>>, vector<16xi32>,
    %mul3A_298 = arith.constant 1024 : i32
    %mul3A_299 = vector.broadcast %mul3A_298 : i32 to vector<16xi32>
    %mul3A_300 = arith.muli %add3A_295, %mul3A_299 : vector<16xi32>
    %add3A_301 = arith.addi %mul3A_300, %get3A_297 : vector<16xi32>
    tpu.vector_store_idx %arg7[%add3A_301], %broadcast_in_dim3A_5 : memref<65536xf32, #tpu.memory_space<vmem>>[vector<16xi32>], vector<16xf32>,
    %add3A_302 = arith.constant 8192 : i32
    %add3A_303 = arith.addi %add3A_302, %mul3A_2 : i32
    %add3A_304 = arith.constant 192 : i32
    %add3A_305 = arith.addi %add3A_303, %add3A_304 : i32
    %mul3A_306 = arith.constant 1024 : i32
    %mul3A_307 = arith.muli %add3A_305, %mul3A_306 : i32
    "tpu.region"() ({
      %run_scoped3A = tpu.sem_alloc : memref<!tpu.dma_semaphore, #tpu.memory_space<semaphore_mem>>
      %dma_start3A = tpu.memref_slice %arg4[%mul3A_307] : memref<16777216xf32, #tpu.memory_space<hbm>> -> memref<65536xf32, #tpu.memory_space<hbm>>
      %dma_start3A_308 = tpu.memref_slice %arg4[%mul3A_307] : memref<16777216xf32, #tpu.memory_space<hbm>> -> memref<65536xf32, #tpu.memory_space<hbm>>
      tpu.enqueue_dma source(%arg7 : memref<65536xf32, #tpu.memory_space<vmem>>) target(%dma_start3A_308 : memref<65536xf32, #tpu.memory_space<hbm>>) target_semaphore(%run_scoped3A : memref<!tpu.dma_semaphore, #tpu.memory_space<semaphore_mem>>)
      %dma_wait3A = tpu.memref_slice %arg4[%mul3A_307] : memref<16777216xf32, #tpu.memory_space<hbm>> -> memref<65536xf32, #tpu.memory_space<hbm>>
      %dma_wait3A_309 = tpu.memref_slice %arg4[%mul3A_307] : memref<16777216xf32, #tpu.memory_space<hbm>> -> memref<65536xf32, #tpu.memory_space<hbm>>
      tpu.wait_dma2 semaphore(%run_scoped3A : memref<!tpu.dma_semaphore, #tpu.memory_space<semaphore_mem>>) src(%arg7 : memref<65536xf32, #tpu.memory_space<vmem>>) dst(%dma_wait3A_309 : memref<65536xf32, #tpu.memory_space<hbm>>)
      tpu.yield
    }) : () -> ()
    return
  }
}

module attributes {stable_mosaic.version = 14 : i64} {
  func.func @_vq_tc_kernel(%arg0: i32, %arg1: memref<2x256x1024xf32, #tpu.memory_space<vmem>>, %arg2: memref<2048x1xf32, #tpu.memory_space<vmem>>, %arg3: memref<1024x256xf32, #tpu.memory_space<vmem>>, %arg4: memref<1x1024xf32, #tpu.memory_space<vmem>>, %arg5: memref<2048x1024xf32, #tpu.memory_space<vmem>>, %arg6: memref<2x1x1024xi32, #tpu.memory_space<vmem>>, %arg7: memref<2x256x1024xf32, #tpu.memory_space<vmem>>, %arg8: memref<1x1024xf32, #tpu.memory_space<vmem>>, %arg9: memref<1x1xf32, #tpu.memory_space<vmem>>, %arg10: memref<1x1024xf32, #tpu.memory_space<vmem>>, %arg11: memref<1x1xf32, #tpu.memory_space<vmem>>) attributes {dimension_semantics = [#tpu.dimension_semantics<arbitrary>], iteration_bounds = array<i64: 4>, scalar_prefetch = 0 : i64, scratch_operands = 2 : i64, tpu.core_type = #tpu.core_type<tc>, window_params = [{transform_indices = @transform_0, window_bounds = array<i64: 2, 256, 1024>}, {transform_indices = @transform_1, window_bounds = array<i64: 2048, 1>}, {pipeline_mode = #tpu.pipeline_mode<synchronous>, transform_indices = @transform_2, window_bounds = array<i64: 1024, 256>}, {pipeline_mode = #tpu.pipeline_mode<synchronous>, transform_indices = @transform_3, window_bounds = array<i64: 1, 1024>}, {transform_indices = @transform_4, window_bounds = array<i64: 2048, 1024>}, {transform_indices = @transform_5, window_bounds = array<i64: 2, 1, 1024>}, {transform_indices = @transform_6, window_bounds = array<i64: 2, 256, 1024>}, {pipeline_mode = #tpu.pipeline_mode<synchronous>, transform_indices = @transform_7, window_bounds = array<i64: 1, 1024>}, {pipeline_mode = #tpu.pipeline_mode<synchronous>, transform_indices = @transform_8, window_bounds = array<i64: 1, 1>}]} {
    %get3A = arith.constant 0 : index
    %get3A_0 = arith.constant 0 : index
    %get3A_1 = vector.load %arg3[%get3A, %get3A_0] : memref<1024x256xf32, #tpu.memory_space<vmem>>, vector<1024x256xf32>
    %get3A_2 = arith.constant 0 : index
    %get3A_3 = arith.constant 0 : index
    %get3A_4 = vector.load %arg4[%get3A_2, %get3A_3] : memref<1x1024xf32, #tpu.memory_space<vmem>>, vector<1x1024xf32>
    %eq3A = arith.constant 0 : i32
    %eq3A_5 = arith.cmpi eq, %arg0, %eq3A : i32
    %convert_element_type3A = arith.extui %eq3A_5 : i1 to i32
    %cond3A = arith.constant 0 : i32
    %cond3A_6 = arith.cmpi ne, %convert_element_type3A, %cond3A : i32
    scf.if %cond3A_6 {
      %broadcast_in_dim3A_146 = arith.constant 0.000000e+00 : f32
      %broadcast_in_dim3A_147 = vector.broadcast %broadcast_in_dim3A_146 : f32 to vector<1x1024xf32>
      %swap3A_148 = arith.constant 0 : index
      %swap3A_149 = arith.constant 0 : index
      %swap3A_150 = vector.load %arg10[%swap3A_148, %swap3A_149] : memref<1x1024xf32, #tpu.memory_space<vmem>>, vector<1x1024xf32>
      tpu.vector_store %arg10[%swap3A_148, %swap3A_149], %broadcast_in_dim3A_147 {strides = array<i32>} : memref<1x1024xf32, #tpu.memory_space<vmem>>, vector<1x1024xf32>,
      %broadcast_in_dim3A_151 = arith.constant 0.000000e+00 : f32
      %broadcast_in_dim3A_152 = vector.broadcast %broadcast_in_dim3A_151 : f32 to vector<1x1xf32>
      %swap3A_153 = arith.constant 0 : index
      %swap3A_154 = arith.constant 0 : index
      %swap3A_155 = vector.load %arg11[%swap3A_153, %swap3A_154] : memref<1x1xf32, #tpu.memory_space<vmem>>, vector<1x1xf32>
      tpu.vector_store %arg11[%swap3A_153, %swap3A_154], %broadcast_in_dim3A_152 {strides = array<i32>} : memref<1x1xf32, #tpu.memory_space<vmem>>, vector<1x1xf32>,
    } else {
    }
    %get3A_7 = arith.constant 0 : index
    %get3A_8 = arith.constant 0 : index
    %get3A_9 = arith.constant 0 : index
    %get3A_10 = vector.load %arg1[%get3A_7, %get3A_8, %get3A_9] : memref<2x256x1024xf32, #tpu.memory_space<vmem>>, vector<1x256x1024xf32>
    %get3A_11 = vector.shape_cast %get3A_10 : vector<1x256x1024xf32> to vector<256x1024xf32>
    %get3A_12 = arith.constant 0 : index
    %get3A_13 = arith.constant 0 : index
    %get3A_14 = vector.load %arg2[%get3A_12, %get3A_13] : memref<2048x1xf32, #tpu.memory_space<vmem>>, vector<1024x1xf32>
    %dot_general3A = arith.constant dense<0.000000e+00> : vector<1024x1024xf32>
    %dot_general3A_15 = tpu.matmul %get3A_11, %get3A_1, %dot_general3A {dimension_numbers = #tpu.dot_dimension_numbers<[0], [1], [1], [0], [0, 1, 1, 0], [], []>, transpose_lhs_hint = false} : vector<256x1024xf32>, vector<1024x256xf32>, vector<1024x1024xf32> -> vector<1024x1024xf32>
    %add3A = vector.broadcast %get3A_14 : vector<1024x1xf32> to vector<1024x1024xf32>
    %add3A_16 = vector.broadcast %get3A_4 : vector<1x1024xf32> to vector<1024x1024xf32>
    %add3A_17 = arith.addf %add3A, %add3A_16 : vector<1024x1024xf32>
    %mul3A = arith.constant 2.000000e+00 : f32
    %mul3A_18 = vector.broadcast %mul3A : f32 to vector<1024x1024xf32>
    %mul3A_19 = arith.mulf %mul3A_18, %dot_general3A_15 : vector<1024x1024xf32>
    %sub3A = arith.subf %add3A_17, %mul3A_19 : vector<1024x1024xf32>
    %swap3A = arith.constant 0 : index
    %swap3A_20 = arith.constant 0 : index
    %swap3A_21 = vector.load %arg5[%swap3A, %swap3A_20] : memref<2048x1024xf32, #tpu.memory_space<vmem>>, vector<1024x1024xf32>
    tpu.vector_store %arg5[%swap3A, %swap3A_20], %sub3A {strides = array<i32>} : memref<2048x1024xf32, #tpu.memory_space<vmem>>, vector<1024x1024xf32>,
    %reduce_min3A = arith.constant dense<0x7F800000> : vector<1024xf32>
    %reduce_min3A_22 = vector.multi_reduction <minimumf>, %sub3A, %reduce_min3A [1] : vector<1024x1024xf32> to vector<1024xf32>
    %broadcast_in_dim3A = vector.shape_cast %reduce_min3A_22 : vector<1024xf32> to vector<1024x1xf32>
    %iota3A = tpu.iota {dimensions = array<i32: 1>} : vector<1024x1024xi32>
    %eq3A_23 = vector.broadcast %broadcast_in_dim3A : vector<1024x1xf32> to vector<1024x1024xf32>
    %eq3A_24 = arith.cmpf oeq, %sub3A, %eq3A_23 : vector<1024x1024xf32>
    %jit3A = arith.constant 1024 : i32
    %broadcast_in_dim3A_25 = vector.broadcast %jit3A : i32 to vector<1024x1024xi32>
    %select_n3A = arith.select %eq3A_24, %iota3A, %broadcast_in_dim3A_25 : vector<1024x1024xi1>, vector<1024x1024xi32>
    %reduce_min3A_26 = arith.constant dense<2147483647> : vector<1024xi32>
    %reduce_min3A_27 = vector.multi_reduction <minsi>, %select_n3A, %reduce_min3A_26 [1] : vector<1024x1024xi32> to vector<1024xi32>
    %swap3A_28 = arith.constant 0 : index
    %swap3A_29 = arith.constant 0 : index
    %swap3A_30 = arith.constant 0 : index
    %swap3A_31 = vector.load %arg6[%swap3A_28, %swap3A_29, %swap3A_30] : memref<2x1x1024xi32, #tpu.memory_space<vmem>>, vector<1x1x1024xi32>
    %swap3A_32 = vector.shape_cast %swap3A_31 : vector<1x1x1024xi32> to vector<1024xi32>
    %swap3A_33 = vector.shape_cast %reduce_min3A_27 : vector<1024xi32> to vector<1x1x1024xi32>
    tpu.vector_store %arg6[%swap3A_28, %swap3A_29, %swap3A_30], %swap3A_33 {strides = array<i32>} : memref<2x1x1024xi32, #tpu.memory_space<vmem>>, vector<1x1x1024xi32>,
    %broadcast_in_dim3A_34 = vector.shape_cast %reduce_min3A_27 : vector<1024xi32> to vector<1024x1xi32>
    %eq3A_35 = vector.broadcast %broadcast_in_dim3A_34 : vector<1024x1xi32> to vector<1024x1024xi32>
    %eq3A_36 = arith.cmpi eq, %iota3A, %eq3A_35 : vector<1024x1024xi32>
    %convert_element_type3A_37 = arith.extui %eq3A_36 : vector<1024x1024xi1> to vector<1024x1024xi32>
    %convert_element_type3A_38 = arith.sitofp %convert_element_type3A_37 : vector<1024x1024xi32> to vector<1024x1024xf32>
    %dot_general3A_39 = arith.constant dense<0.000000e+00> : vector<256x1024xf32>
    %dot_general3A_40 = tpu.matmul %get3A_1, %convert_element_type3A_38, %dot_general3A_39 {dimension_numbers = #tpu.dot_dimension_numbers<[0], [1], [1], [0], [0, 1, 1, 0], [], []>, transpose_lhs_hint = false} : vector<1024x256xf32>, vector<1024x1024xf32>, vector<256x1024xf32> -> vector<256x1024xf32>
    %swap3A_41 = arith.constant 0 : index
    %swap3A_42 = arith.constant 0 : index
    %swap3A_43 = arith.constant 0 : index
    %swap3A_44 = vector.load %arg7[%swap3A_41, %swap3A_42, %swap3A_43] : memref<2x256x1024xf32, #tpu.memory_space<vmem>>, vector<1x256x1024xf32>
    %swap3A_45 = vector.shape_cast %swap3A_44 : vector<1x256x1024xf32> to vector<256x1024xf32>
    %swap3A_46 = vector.shape_cast %dot_general3A_40 : vector<256x1024xf32> to vector<1x256x1024xf32>
    tpu.vector_store %arg7[%swap3A_41, %swap3A_42, %swap3A_43], %swap3A_46 {strides = array<i32>} : memref<2x256x1024xf32, #tpu.memory_space<vmem>>, vector<1x256x1024xf32>,
    %get3A_47 = arith.constant 0 : index
    %get3A_48 = arith.constant 0 : index
    %get3A_49 = vector.load %arg10[%get3A_47, %get3A_48] : memref<1x1024xf32, #tpu.memory_space<vmem>>, vector<1x1024xf32>
    %reduce_sum3A = arith.constant dense<0.000000e+00> : vector<1024xf32>
    %reduce_sum3A_50 = vector.multi_reduction <add>, %convert_element_type3A_38, %reduce_sum3A [0] : vector<1024x1024xf32> to vector<1024xf32>
    %broadcast_in_dim3A_51 = vector.shape_cast %reduce_sum3A_50 : vector<1024xf32> to vector<1x1024xf32>
    %add3A_52 = arith.addf %get3A_49, %broadcast_in_dim3A_51 : vector<1x1024xf32>
    %swap3A_53 = arith.constant 0 : index
    %swap3A_54 = arith.constant 0 : index
    %swap3A_55 = vector.load %arg10[%swap3A_53, %swap3A_54] : memref<1x1024xf32, #tpu.memory_space<vmem>>, vector<1x1024xf32>
    tpu.vector_store %arg10[%swap3A_53, %swap3A_54], %add3A_52 {strides = array<i32>} : memref<1x1024xf32, #tpu.memory_space<vmem>>, vector<1x1024xf32>,
    %get3A_56 = arith.constant 0 : index
    %get3A_57 = arith.constant 0 : index
    %get3A_58 = vector.load %arg11[%get3A_56, %get3A_57] : memref<1x1xf32, #tpu.memory_space<vmem>>, vector<1x1xf32>
    %reduce_sum3A_59 = vector.shape_cast %broadcast_in_dim3A : vector<1024x1xf32> to vector<1x1024x1xf32>
    %reduce_sum3A_60 = arith.constant dense<0.000000e+00> : vector<1xf32>
    %reduce_sum3A_61 = vector.multi_reduction <add>, %reduce_sum3A_59, %reduce_sum3A_60 [1, 2] : vector<1x1024x1xf32> to vector<1xf32>
    %reduce_sum3A_62 = vector.shape_cast %reduce_sum3A_61 : vector<1xf32> to vector<1x1x1xf32>
    %reduce_sum3A_63 = vector.extract %reduce_sum3A_62[0, 0, 0] : f32 from vector<1x1x1xf32>
    %reshape3A = vector.broadcast %reduce_sum3A_63 : f32 to vector<1x1xf32>
    %add3A_64 = arith.addf %get3A_58, %reshape3A : vector<1x1xf32>
    %swap3A_65 = arith.constant 0 : index
    %swap3A_66 = arith.constant 0 : index
    %swap3A_67 = vector.load %arg11[%swap3A_65, %swap3A_66] : memref<1x1xf32, #tpu.memory_space<vmem>>, vector<1x1xf32>
    tpu.vector_store %arg11[%swap3A_65, %swap3A_66], %add3A_64 {strides = array<i32>} : memref<1x1xf32, #tpu.memory_space<vmem>>, vector<1x1xf32>,
    %get3A_68 = arith.constant 1 : index
    %get3A_69 = arith.constant 0 : index
    %get3A_70 = arith.constant 0 : index
    %get3A_71 = vector.load %arg1[%get3A_68, %get3A_69, %get3A_70] : memref<2x256x1024xf32, #tpu.memory_space<vmem>>, vector<1x256x1024xf32>
    %get3A_72 = vector.shape_cast %get3A_71 : vector<1x256x1024xf32> to vector<256x1024xf32>
    %get3A_73 = arith.constant 1024 : index
    %get3A_74 = arith.constant 0 : index
    %get3A_75 = vector.load %arg2[%get3A_73, %get3A_74] : memref<2048x1xf32, #tpu.memory_space<vmem>>, vector<1024x1xf32>
    %dot_general3A_76 = arith.constant dense<0.000000e+00> : vector<1024x1024xf32>
    %dot_general3A_77 = tpu.matmul %get3A_72, %get3A_1, %dot_general3A_76 {dimension_numbers = #tpu.dot_dimension_numbers<[0], [1], [1], [0], [0, 1, 1, 0], [], []>, transpose_lhs_hint = false} : vector<256x1024xf32>, vector<1024x256xf32>, vector<1024x1024xf32> -> vector<1024x1024xf32>
    %add3A_78 = vector.broadcast %get3A_75 : vector<1024x1xf32> to vector<1024x1024xf32>
    %add3A_79 = vector.broadcast %get3A_4 : vector<1x1024xf32> to vector<1024x1024xf32>
    %add3A_80 = arith.addf %add3A_78, %add3A_79 : vector<1024x1024xf32>
    %mul3A_81 = arith.constant 2.000000e+00 : f32
    %mul3A_82 = vector.broadcast %mul3A_81 : f32 to vector<1024x1024xf32>
    %mul3A_83 = arith.mulf %mul3A_82, %dot_general3A_77 : vector<1024x1024xf32>
    %sub3A_84 = arith.subf %add3A_80, %mul3A_83 : vector<1024x1024xf32>
    %swap3A_85 = arith.constant 1024 : index
    %swap3A_86 = arith.constant 0 : index
    %swap3A_87 = vector.load %arg5[%swap3A_85, %swap3A_86] : memref<2048x1024xf32, #tpu.memory_space<vmem>>, vector<1024x1024xf32>
    tpu.vector_store %arg5[%swap3A_85, %swap3A_86], %sub3A_84 {strides = array<i32>} : memref<2048x1024xf32, #tpu.memory_space<vmem>>, vector<1024x1024xf32>,
    %reduce_min3A_88 = arith.constant dense<0x7F800000> : vector<1024xf32>
    %reduce_min3A_89 = vector.multi_reduction <minimumf>, %sub3A_84, %reduce_min3A_88 [1] : vector<1024x1024xf32> to vector<1024xf32>
    %broadcast_in_dim3A_90 = vector.shape_cast %reduce_min3A_89 : vector<1024xf32> to vector<1024x1xf32>
    %iota3A_91 = tpu.iota {dimensions = array<i32: 1>} : vector<1024x1024xi32>
    %eq3A_92 = vector.broadcast %broadcast_in_dim3A_90 : vector<1024x1xf32> to vector<1024x1024xf32>
    %eq3A_93 = arith.cmpf oeq, %sub3A_84, %eq3A_92 : vector<1024x1024xf32>
    %jit3A_94 = arith.constant 1024 : i32
    %broadcast_in_dim3A_95 = vector.broadcast %jit3A_94 : i32 to vector<1024x1024xi32>
    %select_n3A_96 = arith.select %eq3A_93, %iota3A_91, %broadcast_in_dim3A_95 : vector<1024x1024xi1>, vector<1024x1024xi32>
    %reduce_min3A_97 = arith.constant dense<2147483647> : vector<1024xi32>
    %reduce_min3A_98 = vector.multi_reduction <minsi>, %select_n3A_96, %reduce_min3A_97 [1] : vector<1024x1024xi32> to vector<1024xi32>
    %swap3A_99 = arith.constant 1 : index
    %swap3A_100 = arith.constant 0 : index
    %swap3A_101 = arith.constant 0 : index
    %swap3A_102 = vector.load %arg6[%swap3A_99, %swap3A_100, %swap3A_101] : memref<2x1x1024xi32, #tpu.memory_space<vmem>>, vector<1x1x1024xi32>
    %swap3A_103 = vector.shape_cast %swap3A_102 : vector<1x1x1024xi32> to vector<1024xi32>
    %swap3A_104 = vector.shape_cast %reduce_min3A_98 : vector<1024xi32> to vector<1x1x1024xi32>
    tpu.vector_store %arg6[%swap3A_99, %swap3A_100, %swap3A_101], %swap3A_104 {strides = array<i32>} : memref<2x1x1024xi32, #tpu.memory_space<vmem>>, vector<1x1x1024xi32>,
    %broadcast_in_dim3A_105 = vector.shape_cast %reduce_min3A_98 : vector<1024xi32> to vector<1024x1xi32>
    %eq3A_106 = vector.broadcast %broadcast_in_dim3A_105 : vector<1024x1xi32> to vector<1024x1024xi32>
    %eq3A_107 = arith.cmpi eq, %iota3A_91, %eq3A_106 : vector<1024x1024xi32>
    %convert_element_type3A_108 = arith.extui %eq3A_107 : vector<1024x1024xi1> to vector<1024x1024xi32>
    %convert_element_type3A_109 = arith.sitofp %convert_element_type3A_108 : vector<1024x1024xi32> to vector<1024x1024xf32>
    %dot_general3A_110 = arith.constant dense<0.000000e+00> : vector<256x1024xf32>
    %dot_general3A_111 = tpu.matmul %get3A_1, %convert_element_type3A_109, %dot_general3A_110 {dimension_numbers = #tpu.dot_dimension_numbers<[0], [1], [1], [0], [0, 1, 1, 0], [], []>, transpose_lhs_hint = false} : vector<1024x256xf32>, vector<1024x1024xf32>, vector<256x1024xf32> -> vector<256x1024xf32>
    %swap3A_112 = arith.constant 1 : index
    %swap3A_113 = arith.constant 0 : index
    %swap3A_114 = arith.constant 0 : index
    %swap3A_115 = vector.load %arg7[%swap3A_112, %swap3A_113, %swap3A_114] : memref<2x256x1024xf32, #tpu.memory_space<vmem>>, vector<1x256x1024xf32>
    %swap3A_116 = vector.shape_cast %swap3A_115 : vector<1x256x1024xf32> to vector<256x1024xf32>
    %swap3A_117 = vector.shape_cast %dot_general3A_111 : vector<256x1024xf32> to vector<1x256x1024xf32>
    tpu.vector_store %arg7[%swap3A_112, %swap3A_113, %swap3A_114], %swap3A_117 {strides = array<i32>} : memref<2x256x1024xf32, #tpu.memory_space<vmem>>, vector<1x256x1024xf32>,
    %get3A_118 = arith.constant 0 : index
    %get3A_119 = arith.constant 0 : index
    %get3A_120 = vector.load %arg10[%get3A_118, %get3A_119] : memref<1x1024xf32, #tpu.memory_space<vmem>>, vector<1x1024xf32>
    %reduce_sum3A_121 = arith.constant dense<0.000000e+00> : vector<1024xf32>
    %reduce_sum3A_122 = vector.multi_reduction <add>, %convert_element_type3A_109, %reduce_sum3A_121 [0] : vector<1024x1024xf32> to vector<1024xf32>
    %broadcast_in_dim3A_123 = vector.shape_cast %reduce_sum3A_122 : vector<1024xf32> to vector<1x1024xf32>
    %add3A_124 = arith.addf %get3A_120, %broadcast_in_dim3A_123 : vector<1x1024xf32>
    %swap3A_125 = arith.constant 0 : index
    %swap3A_126 = arith.constant 0 : index
    %swap3A_127 = vector.load %arg10[%swap3A_125, %swap3A_126] : memref<1x1024xf32, #tpu.memory_space<vmem>>, vector<1x1024xf32>
    tpu.vector_store %arg10[%swap3A_125, %swap3A_126], %add3A_124 {strides = array<i32>} : memref<1x1024xf32, #tpu.memory_space<vmem>>, vector<1x1024xf32>,
    %get3A_128 = arith.constant 0 : index
    %get3A_129 = arith.constant 0 : index
    %get3A_130 = vector.load %arg11[%get3A_128, %get3A_129] : memref<1x1xf32, #tpu.memory_space<vmem>>, vector<1x1xf32>
    %reduce_sum3A_131 = vector.shape_cast %broadcast_in_dim3A_90 : vector<1024x1xf32> to vector<1x1024x1xf32>
    %reduce_sum3A_132 = arith.constant dense<0.000000e+00> : vector<1xf32>
    %reduce_sum3A_133 = vector.multi_reduction <add>, %reduce_sum3A_131, %reduce_sum3A_132 [1, 2] : vector<1x1024x1xf32> to vector<1xf32>
    %reduce_sum3A_134 = vector.shape_cast %reduce_sum3A_133 : vector<1xf32> to vector<1x1x1xf32>
    %reduce_sum3A_135 = vector.extract %reduce_sum3A_134[0, 0, 0] : f32 from vector<1x1x1xf32>
    %reshape3A_136 = vector.broadcast %reduce_sum3A_135 : f32 to vector<1x1xf32>
    %add3A_137 = arith.addf %get3A_130, %reshape3A_136 : vector<1x1xf32>
    %swap3A_138 = arith.constant 0 : index
    %swap3A_139 = arith.constant 0 : index
    %swap3A_140 = vector.load %arg11[%swap3A_138, %swap3A_139] : memref<1x1xf32, #tpu.memory_space<vmem>>, vector<1x1xf32>
    tpu.vector_store %arg11[%swap3A_138, %swap3A_139], %add3A_137 {strides = array<i32>} : memref<1x1xf32, #tpu.memory_space<vmem>>, vector<1x1xf32>,
    %eq3A_141 = arith.constant 3 : i32
    %eq3A_142 = arith.cmpi eq, %arg0, %eq3A_141 : i32
    %convert_element_type3A_143 = arith.extui %eq3A_142 : i1 to i32
    %cond3A_144 = arith.constant 0 : i32
    %cond3A_145 = arith.cmpi ne, %convert_element_type3A_143, %cond3A_144 : i32
    scf.if %cond3A_145 {
      %get3A_146 = arith.constant 0 : index
      %get3A_147 = arith.constant 0 : index
      %get3A_148 = vector.load %arg10[%get3A_146, %get3A_147] : memref<1x1024xf32, #tpu.memory_space<vmem>>, vector<1x1024xf32>
      %swap3A_149 = arith.constant 0 : index
      %swap3A_150 = arith.constant 0 : index
      %swap3A_151 = vector.load %arg8[%swap3A_149, %swap3A_150] : memref<1x1024xf32, #tpu.memory_space<vmem>>, vector<1x1024xf32>
      tpu.vector_store %arg8[%swap3A_149, %swap3A_150], %get3A_148 {strides = array<i32>} : memref<1x1024xf32, #tpu.memory_space<vmem>>, vector<1x1024xf32>,
      %get3A_152 = arith.constant 0 : index
      %get3A_153 = arith.constant 0 : index
      %get3A_154 = vector.load %arg11[%get3A_152, %get3A_153] : memref<1x1xf32, #tpu.memory_space<vmem>>, vector<1x1xf32>
      %swap3A_155 = arith.constant 0 : index
      %swap3A_156 = arith.constant 0 : index
      %swap3A_157 = vector.load %arg9[%swap3A_155, %swap3A_156] : memref<1x1xf32, #tpu.memory_space<vmem>>, vector<1x1xf32>
      tpu.vector_store %arg9[%swap3A_155, %swap3A_156], %get3A_154 {strides = array<i32>} : memref<1x1xf32, #tpu.memory_space<vmem>>, vector<1x1xf32>,
    } else {
    }
    return
  }
  func.func @transform_0(%arg0: i32) -> (i32, i32, i32) {
    %c0_i32 = arith.constant 0 : i32
    %c0_i32_0 = arith.constant 0 : i32
    %c0_i32_1 = arith.constant 0 : i32
    return %arg0, %c0_i32, %c0_i32_0 : i32, i32, i32
  }
  func.func @transform_1(%arg0: i32) -> (i32, i32) {
    %c0_i32 = arith.constant 0 : i32
    %c0_i32_0 = arith.constant 0 : i32
    return %arg0, %c0_i32 : i32, i32
  }
  func.func @transform_2(%arg0: i32) -> (i32, i32) {
    %c0_i32 = arith.constant 0 : i32
    %c0_i32_0 = arith.constant 0 : i32
    %c0_i32_1 = arith.constant 0 : i32
    return %c0_i32, %c0_i32_0 : i32, i32
  }
  func.func @transform_3(%arg0: i32) -> (i32, i32) {
    %c0_i32 = arith.constant 0 : i32
    %c0_i32_0 = arith.constant 0 : i32
    %c0_i32_1 = arith.constant 0 : i32
    return %c0_i32, %c0_i32_0 : i32, i32
  }
  func.func @transform_4(%arg0: i32) -> (i32, i32) {
    %add3A = arith.constant 0 : i32
    %add3A_0 = arith.addi %add3A, %arg0 : i32
    %c0_i32 = arith.constant 0 : i32
    %c0_i32_1 = arith.constant 0 : i32
    return %add3A_0, %c0_i32 : i32, i32
  }
  func.func @transform_5(%arg0: i32) -> (i32, i32, i32) {
    %c0_i32 = arith.constant 0 : i32
    %c0_i32_0 = arith.constant 0 : i32
    %c0_i32_1 = arith.constant 0 : i32
    return %arg0, %c0_i32, %c0_i32_0 : i32, i32, i32
  }
  func.func @transform_6(%arg0: i32) -> (i32, i32, i32) {
    %add3A = arith.constant 0 : i32
    %add3A_0 = arith.addi %add3A, %arg0 : i32
    %c0_i32 = arith.constant 0 : i32
    %c0_i32_1 = arith.constant 0 : i32
    %c0_i32_2 = arith.constant 0 : i32
    return %add3A_0, %c0_i32, %c0_i32_1 : i32, i32, i32
  }
  func.func @transform_7(%arg0: i32) -> (i32, i32) {
    %c0_i32 = arith.constant 0 : i32
    %c0_i32_0 = arith.constant 0 : i32
    %c0_i32_1 = arith.constant 0 : i32
    return %c0_i32, %c0_i32_0 : i32, i32
  }
  func.func @transform_8(%arg0: i32) -> (i32, i32) {
    %c0_i32 = arith.constant 0 : i32
    %c0_i32_0 = arith.constant 0 : i32
    %c0_i32_1 = arith.constant 0 : i32
    return %c0_i32, %c0_i32_0 : i32, i32
  }
}

module attributes {stable_mosaic.version = 14 : i64} {
  func.func @_vq_tc_kernel(%arg0: i32, %arg1: memref<2x256x1024xf32, #tpu.memory_space<vmem>>, %arg2: memref<2048x1xf32, #tpu.memory_space<vmem>>, %arg3: memref<1024x256xf32, #tpu.memory_space<vmem>>, %arg4: memref<1x1024xf32, #tpu.memory_space<vmem>>, %arg5: memref<16384x1024xf32, #tpu.memory_space<any>>, %arg6: memref<16x256x1024xf32, #tpu.memory_space<any>>, %arg7: memref<2048x1024xf32, #tpu.memory_space<vmem>>, %arg8: memref<2x1x1024xi32, #tpu.memory_space<vmem>>, %arg9: memref<2x256x1024xf32, #tpu.memory_space<vmem>>, %arg10: memref<1x1024xf32, #tpu.memory_space<vmem>>, %arg11: memref<1x1xf32, #tpu.memory_space<vmem>>, %arg12: memref<1x1024xf32, #tpu.memory_space<vmem>>, %arg13: memref<1x1xf32, #tpu.memory_space<vmem>>) attributes {dimension_semantics = [#tpu.dimension_semantics<arbitrary>], iteration_bounds = array<i64: 4>, scalar_prefetch = 0 : i64, scratch_operands = 2 : i64, tpu.core_type = #tpu.core_type<tc>, window_params = [{transform_indices = @transform_0, window_bounds = array<i64: 2, 256, 1024>}, {transform_indices = @transform_1, window_bounds = array<i64: 2048, 1>}, {pipeline_mode = #tpu.pipeline_mode<synchronous>, transform_indices = @transform_2, window_bounds = array<i64: 1024, 256>}, {pipeline_mode = #tpu.pipeline_mode<synchronous>, transform_indices = @transform_3, window_bounds = array<i64: 1, 1024>}, {}, {}, {transform_indices = @transform_6, window_bounds = array<i64: 2048, 1024>}, {transform_indices = @transform_7, window_bounds = array<i64: 2, 1, 1024>}, {transform_indices = @transform_8, window_bounds = array<i64: 2, 256, 1024>}, {pipeline_mode = #tpu.pipeline_mode<synchronous>, transform_indices = @transform_9, window_bounds = array<i64: 1, 1024>}, {pipeline_mode = #tpu.pipeline_mode<synchronous>, transform_indices = @transform_10, window_bounds = array<i64: 1, 1>}]} {
    %get3A = arith.constant 0 : index
    %get3A_0 = arith.constant 0 : index
    %get3A_1 = vector.load %arg3[%get3A, %get3A_0] : memref<1024x256xf32, #tpu.memory_space<vmem>>, vector<1024x256xf32>
    %get3A_2 = arith.constant 0 : index
    %get3A_3 = arith.constant 0 : index
    %get3A_4 = vector.load %arg4[%get3A_2, %get3A_3] : memref<1x1024xf32, #tpu.memory_space<vmem>>, vector<1x1024xf32>
    %eq3A = arith.constant 0 : i32
    %eq3A_5 = arith.cmpi eq, %arg0, %eq3A : i32
    %convert_element_type3A = arith.extui %eq3A_5 : i1 to i32
    %cond3A = arith.constant 0 : i32
    %cond3A_6 = arith.cmpi ne, %convert_element_type3A, %cond3A : i32
    scf.if %cond3A_6 {
      %broadcast_in_dim3A_146 = arith.constant 0.000000e+00 : f32
      %broadcast_in_dim3A_147 = vector.broadcast %broadcast_in_dim3A_146 : f32 to vector<1x1024xf32>
      %swap3A_148 = arith.constant 0 : index
      %swap3A_149 = arith.constant 0 : index
      %swap3A_150 = vector.load %arg12[%swap3A_148, %swap3A_149] : memref<1x1024xf32, #tpu.memory_space<vmem>>, vector<1x1024xf32>
      tpu.vector_store %arg12[%swap3A_148, %swap3A_149], %broadcast_in_dim3A_147 {strides = array<i32>} : memref<1x1024xf32, #tpu.memory_space<vmem>>, vector<1x1024xf32>,
      %broadcast_in_dim3A_151 = arith.constant 0.000000e+00 : f32
      %broadcast_in_dim3A_152 = vector.broadcast %broadcast_in_dim3A_151 : f32 to vector<1x1xf32>
      %swap3A_153 = arith.constant 0 : index
      %swap3A_154 = arith.constant 0 : index
      %swap3A_155 = vector.load %arg13[%swap3A_153, %swap3A_154] : memref<1x1xf32, #tpu.memory_space<vmem>>, vector<1x1xf32>
      tpu.vector_store %arg13[%swap3A_153, %swap3A_154], %broadcast_in_dim3A_152 {strides = array<i32>} : memref<1x1xf32, #tpu.memory_space<vmem>>, vector<1x1xf32>,
    } else {
    }
    %get3A_7 = arith.constant 0 : index
    %get3A_8 = arith.constant 0 : index
    %get3A_9 = arith.constant 0 : index
    %get3A_10 = vector.load %arg1[%get3A_7, %get3A_8, %get3A_9] : memref<2x256x1024xf32, #tpu.memory_space<vmem>>, vector<1x256x1024xf32>
    %get3A_11 = vector.shape_cast %get3A_10 : vector<1x256x1024xf32> to vector<256x1024xf32>
    %get3A_12 = arith.constant 0 : index
    %get3A_13 = arith.constant 0 : index
    %get3A_14 = vector.load %arg2[%get3A_12, %get3A_13] : memref<2048x1xf32, #tpu.memory_space<vmem>>, vector<1024x1xf32>
    %dot_general3A = arith.constant dense<0.000000e+00> : vector<1024x1024xf32>
    %dot_general3A_15 = tpu.matmul %get3A_11, %get3A_1, %dot_general3A {dimension_numbers = #tpu.dot_dimension_numbers<[0], [1], [1], [0], [0, 1, 1, 0], [], []>, transpose_lhs_hint = false} : vector<256x1024xf32>, vector<1024x256xf32>, vector<1024x1024xf32> -> vector<1024x1024xf32>
    %add3A = vector.broadcast %get3A_14 : vector<1024x1xf32> to vector<1024x1024xf32>
    %add3A_16 = vector.broadcast %get3A_4 : vector<1x1024xf32> to vector<1024x1024xf32>
    %add3A_17 = arith.addf %add3A, %add3A_16 : vector<1024x1024xf32>
    %mul3A = arith.constant 2.000000e+00 : f32
    %mul3A_18 = vector.broadcast %mul3A : f32 to vector<1024x1024xf32>
    %mul3A_19 = arith.mulf %mul3A_18, %dot_general3A_15 : vector<1024x1024xf32>
    %sub3A = arith.subf %add3A_17, %mul3A_19 : vector<1024x1024xf32>
    %swap3A = arith.constant 0 : index
    %swap3A_20 = arith.constant 0 : index
    %swap3A_21 = vector.load %arg7[%swap3A, %swap3A_20] : memref<2048x1024xf32, #tpu.memory_space<vmem>>, vector<1024x1024xf32>
    tpu.vector_store %arg7[%swap3A, %swap3A_20], %sub3A {strides = array<i32>} : memref<2048x1024xf32, #tpu.memory_space<vmem>>, vector<1024x1024xf32>,
    %reduce_min3A = arith.constant dense<0x7F800000> : vector<1024xf32>
    %reduce_min3A_22 = vector.multi_reduction <minimumf>, %sub3A, %reduce_min3A [1] : vector<1024x1024xf32> to vector<1024xf32>
    %broadcast_in_dim3A = vector.shape_cast %reduce_min3A_22 : vector<1024xf32> to vector<1024x1xf32>
    %iota3A = tpu.iota {dimensions = array<i32: 1>} : vector<1024x1024xi32>
    %eq3A_23 = vector.broadcast %broadcast_in_dim3A : vector<1024x1xf32> to vector<1024x1024xf32>
    %eq3A_24 = arith.cmpf oeq, %sub3A, %eq3A_23 : vector<1024x1024xf32>
    %jit3A = arith.constant 1024 : i32
    %broadcast_in_dim3A_25 = vector.broadcast %jit3A : i32 to vector<1024x1024xi32>
    %select_n3A = arith.select %eq3A_24, %iota3A, %broadcast_in_dim3A_25 : vector<1024x1024xi1>, vector<1024x1024xi32>
    %reduce_min3A_26 = arith.constant dense<2147483647> : vector<1024xi32>
    %reduce_min3A_27 = vector.multi_reduction <minsi>, %select_n3A, %reduce_min3A_26 [1] : vector<1024x1024xi32> to vector<1024xi32>
    %swap3A_28 = arith.constant 0 : index
    %swap3A_29 = arith.constant 0 : index
    %swap3A_30 = arith.constant 0 : index
    %swap3A_31 = vector.load %arg8[%swap3A_28, %swap3A_29, %swap3A_30] : memref<2x1x1024xi32, #tpu.memory_space<vmem>>, vector<1x1x1024xi32>
    %swap3A_32 = vector.shape_cast %swap3A_31 : vector<1x1x1024xi32> to vector<1024xi32>
    %swap3A_33 = vector.shape_cast %reduce_min3A_27 : vector<1024xi32> to vector<1x1x1024xi32>
    tpu.vector_store %arg8[%swap3A_28, %swap3A_29, %swap3A_30], %swap3A_33 {strides = array<i32>} : memref<2x1x1024xi32, #tpu.memory_space<vmem>>, vector<1x1x1024xi32>,
    %broadcast_in_dim3A_34 = vector.shape_cast %reduce_min3A_27 : vector<1024xi32> to vector<1024x1xi32>
    %eq3A_35 = vector.broadcast %broadcast_in_dim3A_34 : vector<1024x1xi32> to vector<1024x1024xi32>
    %eq3A_36 = arith.cmpi eq, %iota3A, %eq3A_35 : vector<1024x1024xi32>
    %convert_element_type3A_37 = arith.extui %eq3A_36 : vector<1024x1024xi1> to vector<1024x1024xi32>
    %convert_element_type3A_38 = arith.sitofp %convert_element_type3A_37 : vector<1024x1024xi32> to vector<1024x1024xf32>
    %dot_general3A_39 = arith.constant dense<0.000000e+00> : vector<256x1024xf32>
    %dot_general3A_40 = tpu.matmul %get3A_1, %convert_element_type3A_38, %dot_general3A_39 {dimension_numbers = #tpu.dot_dimension_numbers<[0], [1], [1], [0], [0, 1, 1, 0], [], []>, transpose_lhs_hint = false} : vector<1024x256xf32>, vector<1024x1024xf32>, vector<256x1024xf32> -> vector<256x1024xf32>
    %swap3A_41 = arith.constant 0 : index
    %swap3A_42 = arith.constant 0 : index
    %swap3A_43 = arith.constant 0 : index
    %swap3A_44 = vector.load %arg9[%swap3A_41, %swap3A_42, %swap3A_43] : memref<2x256x1024xf32, #tpu.memory_space<vmem>>, vector<1x256x1024xf32>
    %swap3A_45 = vector.shape_cast %swap3A_44 : vector<1x256x1024xf32> to vector<256x1024xf32>
    %swap3A_46 = vector.shape_cast %dot_general3A_40 : vector<256x1024xf32> to vector<1x256x1024xf32>
    tpu.vector_store %arg9[%swap3A_41, %swap3A_42, %swap3A_43], %swap3A_46 {strides = array<i32>} : memref<2x256x1024xf32, #tpu.memory_space<vmem>>, vector<1x256x1024xf32>,
    %get3A_47 = arith.constant 0 : index
    %get3A_48 = arith.constant 0 : index
    %get3A_49 = vector.load %arg12[%get3A_47, %get3A_48] : memref<1x1024xf32, #tpu.memory_space<vmem>>, vector<1x1024xf32>
    %reduce_sum3A = arith.constant dense<0.000000e+00> : vector<1024xf32>
    %reduce_sum3A_50 = vector.multi_reduction <add>, %convert_element_type3A_38, %reduce_sum3A [0] : vector<1024x1024xf32> to vector<1024xf32>
    %broadcast_in_dim3A_51 = vector.shape_cast %reduce_sum3A_50 : vector<1024xf32> to vector<1x1024xf32>
    %add3A_52 = arith.addf %get3A_49, %broadcast_in_dim3A_51 : vector<1x1024xf32>
    %swap3A_53 = arith.constant 0 : index
    %swap3A_54 = arith.constant 0 : index
    %swap3A_55 = vector.load %arg12[%swap3A_53, %swap3A_54] : memref<1x1024xf32, #tpu.memory_space<vmem>>, vector<1x1024xf32>
    tpu.vector_store %arg12[%swap3A_53, %swap3A_54], %add3A_52 {strides = array<i32>} : memref<1x1024xf32, #tpu.memory_space<vmem>>, vector<1x1024xf32>,
    %get3A_56 = arith.constant 0 : index
    %get3A_57 = arith.constant 0 : index
    %get3A_58 = vector.load %arg13[%get3A_56, %get3A_57] : memref<1x1xf32, #tpu.memory_space<vmem>>, vector<1x1xf32>
    %reduce_sum3A_59 = vector.shape_cast %broadcast_in_dim3A : vector<1024x1xf32> to vector<1x1024x1xf32>
    %reduce_sum3A_60 = arith.constant dense<0.000000e+00> : vector<1xf32>
    %reduce_sum3A_61 = vector.multi_reduction <add>, %reduce_sum3A_59, %reduce_sum3A_60 [1, 2] : vector<1x1024x1xf32> to vector<1xf32>
    %reduce_sum3A_62 = vector.shape_cast %reduce_sum3A_61 : vector<1xf32> to vector<1x1x1xf32>
    %reduce_sum3A_63 = vector.extract %reduce_sum3A_62[0, 0, 0] : f32 from vector<1x1x1xf32>
    %reshape3A = vector.broadcast %reduce_sum3A_63 : f32 to vector<1x1xf32>
    %add3A_64 = arith.addf %get3A_58, %reshape3A : vector<1x1xf32>
    %swap3A_65 = arith.constant 0 : index
    %swap3A_66 = arith.constant 0 : index
    %swap3A_67 = vector.load %arg13[%swap3A_65, %swap3A_66] : memref<1x1xf32, #tpu.memory_space<vmem>>, vector<1x1xf32>
    tpu.vector_store %arg13[%swap3A_65, %swap3A_66], %add3A_64 {strides = array<i32>} : memref<1x1xf32, #tpu.memory_space<vmem>>, vector<1x1xf32>,
    %get3A_68 = arith.constant 1 : index
    %get3A_69 = arith.constant 0 : index
    %get3A_70 = arith.constant 0 : index
    %get3A_71 = vector.load %arg1[%get3A_68, %get3A_69, %get3A_70] : memref<2x256x1024xf32, #tpu.memory_space<vmem>>, vector<1x256x1024xf32>
    %get3A_72 = vector.shape_cast %get3A_71 : vector<1x256x1024xf32> to vector<256x1024xf32>
    %get3A_73 = arith.constant 1024 : index
    %get3A_74 = arith.constant 0 : index
    %get3A_75 = vector.load %arg2[%get3A_73, %get3A_74] : memref<2048x1xf32, #tpu.memory_space<vmem>>, vector<1024x1xf32>
    %dot_general3A_76 = arith.constant dense<0.000000e+00> : vector<1024x1024xf32>
    %dot_general3A_77 = tpu.matmul %get3A_72, %get3A_1, %dot_general3A_76 {dimension_numbers = #tpu.dot_dimension_numbers<[0], [1], [1], [0], [0, 1, 1, 0], [], []>, transpose_lhs_hint = false} : vector<256x1024xf32>, vector<1024x256xf32>, vector<1024x1024xf32> -> vector<1024x1024xf32>
    %add3A_78 = vector.broadcast %get3A_75 : vector<1024x1xf32> to vector<1024x1024xf32>
    %add3A_79 = vector.broadcast %get3A_4 : vector<1x1024xf32> to vector<1024x1024xf32>
    %add3A_80 = arith.addf %add3A_78, %add3A_79 : vector<1024x1024xf32>
    %mul3A_81 = arith.constant 2.000000e+00 : f32
    %mul3A_82 = vector.broadcast %mul3A_81 : f32 to vector<1024x1024xf32>
    %mul3A_83 = arith.mulf %mul3A_82, %dot_general3A_77 : vector<1024x1024xf32>
    %sub3A_84 = arith.subf %add3A_80, %mul3A_83 : vector<1024x1024xf32>
    %swap3A_85 = arith.constant 1024 : index
    %swap3A_86 = arith.constant 0 : index
    %swap3A_87 = vector.load %arg7[%swap3A_85, %swap3A_86] : memref<2048x1024xf32, #tpu.memory_space<vmem>>, vector<1024x1024xf32>
    tpu.vector_store %arg7[%swap3A_85, %swap3A_86], %sub3A_84 {strides = array<i32>} : memref<2048x1024xf32, #tpu.memory_space<vmem>>, vector<1024x1024xf32>,
    %reduce_min3A_88 = arith.constant dense<0x7F800000> : vector<1024xf32>
    %reduce_min3A_89 = vector.multi_reduction <minimumf>, %sub3A_84, %reduce_min3A_88 [1] : vector<1024x1024xf32> to vector<1024xf32>
    %broadcast_in_dim3A_90 = vector.shape_cast %reduce_min3A_89 : vector<1024xf32> to vector<1024x1xf32>
    %iota3A_91 = tpu.iota {dimensions = array<i32: 1>} : vector<1024x1024xi32>
    %eq3A_92 = vector.broadcast %broadcast_in_dim3A_90 : vector<1024x1xf32> to vector<1024x1024xf32>
    %eq3A_93 = arith.cmpf oeq, %sub3A_84, %eq3A_92 : vector<1024x1024xf32>
    %jit3A_94 = arith.constant 1024 : i32
    %broadcast_in_dim3A_95 = vector.broadcast %jit3A_94 : i32 to vector<1024x1024xi32>
    %select_n3A_96 = arith.select %eq3A_93, %iota3A_91, %broadcast_in_dim3A_95 : vector<1024x1024xi1>, vector<1024x1024xi32>
    %reduce_min3A_97 = arith.constant dense<2147483647> : vector<1024xi32>
    %reduce_min3A_98 = vector.multi_reduction <minsi>, %select_n3A_96, %reduce_min3A_97 [1] : vector<1024x1024xi32> to vector<1024xi32>
    %swap3A_99 = arith.constant 1 : index
    %swap3A_100 = arith.constant 0 : index
    %swap3A_101 = arith.constant 0 : index
    %swap3A_102 = vector.load %arg8[%swap3A_99, %swap3A_100, %swap3A_101] : memref<2x1x1024xi32, #tpu.memory_space<vmem>>, vector<1x1x1024xi32>
    %swap3A_103 = vector.shape_cast %swap3A_102 : vector<1x1x1024xi32> to vector<1024xi32>
    %swap3A_104 = vector.shape_cast %reduce_min3A_98 : vector<1024xi32> to vector<1x1x1024xi32>
    tpu.vector_store %arg8[%swap3A_99, %swap3A_100, %swap3A_101], %swap3A_104 {strides = array<i32>} : memref<2x1x1024xi32, #tpu.memory_space<vmem>>, vector<1x1x1024xi32>,
    %broadcast_in_dim3A_105 = vector.shape_cast %reduce_min3A_98 : vector<1024xi32> to vector<1024x1xi32>
    %eq3A_106 = vector.broadcast %broadcast_in_dim3A_105 : vector<1024x1xi32> to vector<1024x1024xi32>
    %eq3A_107 = arith.cmpi eq, %iota3A_91, %eq3A_106 : vector<1024x1024xi32>
    %convert_element_type3A_108 = arith.extui %eq3A_107 : vector<1024x1024xi1> to vector<1024x1024xi32>
    %convert_element_type3A_109 = arith.sitofp %convert_element_type3A_108 : vector<1024x1024xi32> to vector<1024x1024xf32>
    %dot_general3A_110 = arith.constant dense<0.000000e+00> : vector<256x1024xf32>
    %dot_general3A_111 = tpu.matmul %get3A_1, %convert_element_type3A_109, %dot_general3A_110 {dimension_numbers = #tpu.dot_dimension_numbers<[0], [1], [1], [0], [0, 1, 1, 0], [], []>, transpose_lhs_hint = false} : vector<1024x256xf32>, vector<1024x1024xf32>, vector<256x1024xf32> -> vector<256x1024xf32>
    %swap3A_112 = arith.constant 1 : index
    %swap3A_113 = arith.constant 0 : index
    %swap3A_114 = arith.constant 0 : index
    %swap3A_115 = vector.load %arg9[%swap3A_112, %swap3A_113, %swap3A_114] : memref<2x256x1024xf32, #tpu.memory_space<vmem>>, vector<1x256x1024xf32>
    %swap3A_116 = vector.shape_cast %swap3A_115 : vector<1x256x1024xf32> to vector<256x1024xf32>
    %swap3A_117 = vector.shape_cast %dot_general3A_111 : vector<256x1024xf32> to vector<1x256x1024xf32>
    tpu.vector_store %arg9[%swap3A_112, %swap3A_113, %swap3A_114], %swap3A_117 {strides = array<i32>} : memref<2x256x1024xf32, #tpu.memory_space<vmem>>, vector<1x256x1024xf32>,
    %get3A_118 = arith.constant 0 : index
    %get3A_119 = arith.constant 0 : index
    %get3A_120 = vector.load %arg12[%get3A_118, %get3A_119] : memref<1x1024xf32, #tpu.memory_space<vmem>>, vector<1x1024xf32>
    %reduce_sum3A_121 = arith.constant dense<0.000000e+00> : vector<1024xf32>
    %reduce_sum3A_122 = vector.multi_reduction <add>, %convert_element_type3A_109, %reduce_sum3A_121 [0] : vector<1024x1024xf32> to vector<1024xf32>
    %broadcast_in_dim3A_123 = vector.shape_cast %reduce_sum3A_122 : vector<1024xf32> to vector<1x1024xf32>
    %add3A_124 = arith.addf %get3A_120, %broadcast_in_dim3A_123 : vector<1x1024xf32>
    %swap3A_125 = arith.constant 0 : index
    %swap3A_126 = arith.constant 0 : index
    %swap3A_127 = vector.load %arg12[%swap3A_125, %swap3A_126] : memref<1x1024xf32, #tpu.memory_space<vmem>>, vector<1x1024xf32>
    tpu.vector_store %arg12[%swap3A_125, %swap3A_126], %add3A_124 {strides = array<i32>} : memref<1x1024xf32, #tpu.memory_space<vmem>>, vector<1x1024xf32>,
    %get3A_128 = arith.constant 0 : index
    %get3A_129 = arith.constant 0 : index
    %get3A_130 = vector.load %arg13[%get3A_128, %get3A_129] : memref<1x1xf32, #tpu.memory_space<vmem>>, vector<1x1xf32>
    %reduce_sum3A_131 = vector.shape_cast %broadcast_in_dim3A_90 : vector<1024x1xf32> to vector<1x1024x1xf32>
    %reduce_sum3A_132 = arith.constant dense<0.000000e+00> : vector<1xf32>
    %reduce_sum3A_133 = vector.multi_reduction <add>, %reduce_sum3A_131, %reduce_sum3A_132 [1, 2] : vector<1x1024x1xf32> to vector<1xf32>
    %reduce_sum3A_134 = vector.shape_cast %reduce_sum3A_133 : vector<1xf32> to vector<1x1x1xf32>
    %reduce_sum3A_135 = vector.extract %reduce_sum3A_134[0, 0, 0] : f32 from vector<1x1x1xf32>
    %reshape3A_136 = vector.broadcast %reduce_sum3A_135 : f32 to vector<1x1xf32>
    %add3A_137 = arith.addf %get3A_130, %reshape3A_136 : vector<1x1xf32>
    %swap3A_138 = arith.constant 0 : index
    %swap3A_139 = arith.constant 0 : index
    %swap3A_140 = vector.load %arg13[%swap3A_138, %swap3A_139] : memref<1x1xf32, #tpu.memory_space<vmem>>, vector<1x1xf32>
    tpu.vector_store %arg13[%swap3A_138, %swap3A_139], %add3A_137 {strides = array<i32>} : memref<1x1xf32, #tpu.memory_space<vmem>>, vector<1x1xf32>,
    %eq3A_141 = arith.constant 3 : i32
    %eq3A_142 = arith.cmpi eq, %arg0, %eq3A_141 : i32
    %convert_element_type3A_143 = arith.extui %eq3A_142 : i1 to i32
    %cond3A_144 = arith.constant 0 : i32
    %cond3A_145 = arith.cmpi ne, %convert_element_type3A_143, %cond3A_144 : i32
    scf.if %cond3A_145 {
      %get3A_146 = arith.constant 0 : index
      %get3A_147 = arith.constant 0 : index
      %get3A_148 = vector.load %arg12[%get3A_146, %get3A_147] : memref<1x1024xf32, #tpu.memory_space<vmem>>, vector<1x1024xf32>
      %swap3A_149 = arith.constant 0 : index
      %swap3A_150 = arith.constant 0 : index
      %swap3A_151 = vector.load %arg10[%swap3A_149, %swap3A_150] : memref<1x1024xf32, #tpu.memory_space<vmem>>, vector<1x1024xf32>
      tpu.vector_store %arg10[%swap3A_149, %swap3A_150], %get3A_148 {strides = array<i32>} : memref<1x1024xf32, #tpu.memory_space<vmem>>, vector<1x1024xf32>,
      %get3A_152 = arith.constant 0 : index
      %get3A_153 = arith.constant 0 : index
      %get3A_154 = vector.load %arg13[%get3A_152, %get3A_153] : memref<1x1xf32, #tpu.memory_space<vmem>>, vector<1x1xf32>
      %swap3A_155 = arith.constant 0 : index
      %swap3A_156 = arith.constant 0 : index
      %swap3A_157 = vector.load %arg11[%swap3A_155, %swap3A_156] : memref<1x1xf32, #tpu.memory_space<vmem>>, vector<1x1xf32>
      tpu.vector_store %arg11[%swap3A_155, %swap3A_156], %get3A_154 {strides = array<i32>} : memref<1x1xf32, #tpu.memory_space<vmem>>, vector<1x1xf32>,
    } else {
    }
    return
  }
  func.func @transform_0(%arg0: i32) -> (i32, i32, i32) {
    %c0_i32 = arith.constant 0 : i32
    %c0_i32_0 = arith.constant 0 : i32
    %c0_i32_1 = arith.constant 0 : i32
    return %arg0, %c0_i32, %c0_i32_0 : i32, i32, i32
  }
  func.func @transform_1(%arg0: i32) -> (i32, i32) {
    %c0_i32 = arith.constant 0 : i32
    %c0_i32_0 = arith.constant 0 : i32
    return %arg0, %c0_i32 : i32, i32
  }
  func.func @transform_2(%arg0: i32) -> (i32, i32) {
    %c0_i32 = arith.constant 0 : i32
    %c0_i32_0 = arith.constant 0 : i32
    %c0_i32_1 = arith.constant 0 : i32
    return %c0_i32, %c0_i32_0 : i32, i32
  }
  func.func @transform_3(%arg0: i32) -> (i32, i32) {
    %c0_i32 = arith.constant 0 : i32
    %c0_i32_0 = arith.constant 0 : i32
    %c0_i32_1 = arith.constant 0 : i32
    return %c0_i32, %c0_i32_0 : i32, i32
  }
  func.func @transform_6(%arg0: i32) -> (i32, i32) {
    %add3A = arith.constant 4 : i32
    %add3A_0 = arith.addi %add3A, %arg0 : i32
    %c0_i32 = arith.constant 0 : i32
    %c0_i32_1 = arith.constant 0 : i32
    return %add3A_0, %c0_i32 : i32, i32
  }
  func.func @transform_7(%arg0: i32) -> (i32, i32, i32) {
    %c0_i32 = arith.constant 0 : i32
    %c0_i32_0 = arith.constant 0 : i32
    %c0_i32_1 = arith.constant 0 : i32
    return %arg0, %c0_i32, %c0_i32_0 : i32, i32, i32
  }
  func.func @transform_8(%arg0: i32) -> (i32, i32, i32) {
    %add3A = arith.constant 4 : i32
    %add3A_0 = arith.addi %add3A, %arg0 : i32
    %c0_i32 = arith.constant 0 : i32
    %c0_i32_1 = arith.constant 0 : i32
    %c0_i32_2 = arith.constant 0 : i32
    return %add3A_0, %c0_i32, %c0_i32_1 : i32, i32, i32
  }
  func.func @transform_9(%arg0: i32) -> (i32, i32) {
    %c0_i32 = arith.constant 0 : i32
    %c0_i32_0 = arith.constant 0 : i32
    %c0_i32_1 = arith.constant 0 : i32
    return %c0_i32, %c0_i32_0 : i32, i32
  }
  func.func @transform_10(%arg0: i32) -> (i32, i32) {
    %c0_i32 = arith.constant 0 : i32
    %c0_i32_0 = arith.constant 0 : i32
    %c0_i32_1 = arith.constant 0 : i32
    return %c0_i32, %c0_i32_0 : i32, i32
  }
}

module attributes {stable_mosaic.version = 14 : i64} {
  func.func @_combine_kernel(%arg0: memref<2x1024xf32, #tpu.memory_space<vmem>>, %arg1: memref<2x1xf32, #tpu.memory_space<vmem>>, %arg2: memref<1x1xf32, #tpu.memory_space<vmem>>, %arg3: memref<1x1xf32, #tpu.memory_space<vmem>>) attributes {dimension_semantics = [], scalar_prefetch = 0 : i64, scratch_operands = 0 : i64, tpu.core_type = #tpu.core_type<tc>} {
    %get3A = arith.constant 0 : index
    %get3A_0 = arith.constant 0 : index
    %get3A_1 = vector.load %arg1[%get3A, %get3A_0] : memref<2x1xf32, #tpu.memory_space<vmem>>, vector<2x1xf32>
    %reduce_sum3A = vector.shape_cast %get3A_1 : vector<2x1xf32> to vector<1x2x1xf32>
    %reduce_sum3A_2 = arith.constant dense<0.000000e+00> : vector<1xf32>
    %reduce_sum3A_3 = vector.multi_reduction <add>, %reduce_sum3A, %reduce_sum3A_2 [1, 2] : vector<1x2x1xf32> to vector<1xf32>
    %reduce_sum3A_4 = vector.shape_cast %reduce_sum3A_3 : vector<1xf32> to vector<1x1x1xf32>
    %reduce_sum3A_5 = vector.extract %reduce_sum3A_4[0, 0, 0] : f32 from vector<1x1x1xf32>
    %mul3A = arith.constant 1.250000e+00 : f32
    %mul3A_6 = arith.mulf %mul3A, %reduce_sum3A_5 : f32
    %div3A = arith.constant 0x4A800000 : f32
    %div3A_7 = arith.divf %mul3A_6, %div3A : f32
    %reshape3A = vector.broadcast %div3A_7 : f32 to vector<1x1xf32>
    %swap3A = arith.constant 0 : index
    %swap3A_8 = arith.constant 0 : index
    %swap3A_9 = vector.load %arg2[%swap3A, %swap3A_8] : memref<1x1xf32, #tpu.memory_space<vmem>>, vector<1x1xf32>
    tpu.vector_store %arg2[%swap3A, %swap3A_8], %reshape3A {strides = array<i32>} : memref<1x1xf32, #tpu.memory_space<vmem>>, vector<1x1xf32>,
    %get3A_10 = arith.constant 0 : index
    %get3A_11 = arith.constant 0 : index
    %get3A_12 = vector.load %arg0[%get3A_10, %get3A_11] : memref<2x1024xf32, #tpu.memory_space<vmem>>, vector<2x1024xf32>
    %reduce_sum3A_13 = arith.constant dense<0.000000e+00> : vector<1024xf32>
    %reduce_sum3A_14 = vector.multi_reduction <add>, %get3A_12, %reduce_sum3A_13 [0] : vector<2x1024xf32> to vector<1024xf32>
    %broadcast_in_dim3A = vector.shape_cast %reduce_sum3A_14 : vector<1024xf32> to vector<1x1024xf32>
    %div3A_15 = arith.constant 1.638400e+04 : f32
    %div3A_16 = vector.broadcast %div3A_15 : f32 to vector<1x1024xf32>
    %div3A_17 = arith.divf %broadcast_in_dim3A, %div3A_16 : vector<1x1024xf32>
    %add3A = arith.constant 1.000000e-10 : f32
    %add3A_18 = vector.broadcast %add3A : f32 to vector<1x1024xf32>
    %add3A_19 = arith.addf %div3A_17, %add3A_18 : vector<1x1024xf32>
    %log3A = math.log %add3A_19 : vector<1x1024xf32>
    %mul3A_20 = arith.mulf %div3A_17, %log3A : vector<1x1024xf32>
    %reduce_sum3A_21 = vector.shape_cast %mul3A_20 : vector<1x1024xf32> to vector<1x1x1024xf32>
    %reduce_sum3A_22 = arith.constant dense<0.000000e+00> : vector<1xf32>
    %reduce_sum3A_23 = vector.multi_reduction <add>, %reduce_sum3A_21, %reduce_sum3A_22 [1, 2] : vector<1x1x1024xf32> to vector<1xf32>
    %reduce_sum3A_24 = vector.shape_cast %reduce_sum3A_23 : vector<1xf32> to vector<1x1x1xf32>
    %reduce_sum3A_25 = vector.extract %reduce_sum3A_24[0, 0, 0] : f32 from vector<1x1x1xf32>
    %neg3A = arith.constant 0.000000e+00 : f32
    %neg3A_26 = arith.subf %neg3A, %reduce_sum3A_25 : f32
    %exp3A = math.exp %neg3A_26 : f32
    %reshape3A_27 = vector.broadcast %exp3A : f32 to vector<1x1xf32>
    %swap3A_28 = arith.constant 0 : index
    %swap3A_29 = arith.constant 0 : index
    %swap3A_30 = vector.load %arg3[%swap3A_28, %swap3A_29] : memref<1x1xf32, #tpu.memory_space<vmem>>, vector<1x1xf32>
    tpu.vector_store %arg3[%swap3A_28, %swap3A_29], %reshape3A_27 {strides = array<i32>} : memref<1x1xf32, #tpu.memory_space<vmem>>, vector<1x1xf32>,
    return
  }
}

</mosaic_0001>

<sc_bundles>
// kernel: kernel.10.cloned.1.call-start
scs
__scs_entry_jumppad:
0x0: {  	(pc) =	sbr.rel $0x88, $3  }
0x1: {  	(tag) =	ssettag $0x0;
	lr =	simm.s32 $0x1  }
0x2: {  	[smem:$0x3F9F] =	sst lr;
	_ =	strace $0xD0000000  }
0x3: {  	_ = 	snop  }
0x4: {  	_ = 	snop  }
0x5: {  	_ = 	snop  }
0x6: {  	_ = 	snop  }
0x7: {  	_ = 	snop  }
__scs_overlays_trampoline_lowered:
0x8: {  	[smem:$0x3FAE] =	sst s0  }
0x9: {  	[smem:$0x3FAF] =	sst s1  }
0xa: {  	[smem:$0x3FB0] =	sst s2  }
0xb: {  	[smem:$0x3FB1] =	sst s3  }
0xc: {  	[smem:$0x3FB2] =	sst s4  }
0xd: {  	[smem:$0x3FB3] =	sst s5  }
0xe: {  	[smem:$0x3FB4] =	sst s6  }
0xf: {  	[smem:$0x3FB5] =	sst s7  }
0x10: {  	[smem:$0x3FB6] =	sst s8  }
0x11: {  	[smem:$0x3FB7] =	sst s9;
	s0 =	simm.s32 @!p0 $0x0  }
0x12: {  	s1 =	sld [smem:$0x3F9D];
	s0 =	simm.s32 @p0 $0x1  }
0x13: {  	[smem:$0x3FB8] =	sst s0;
	s0 =	simm.s32 @!p1 $0x0  }
0x14: {  	s2 =	sld [smem:$0x3F9C];
	s0 =	simm.s32 @p1 $0x1  }
0x15: {  	[smem:$0x3FB9] =	sst s0;
	s0 =	simm.s32 @!p2 $0x0  }
0x16: {  	s3 =	sld [smem:$0x3FDB];
	s0 =	simm.s32 @p2 $0x1  }
0x17: {  	s4 =	simm.s32 $0x1BF5;
	[smem:$0x3FBB] =	sst s0  }
0x18: {  	s0 =	sld [smem:$0x3F9E];
	_ =	swait.ge [sflag:s4], $0x0  }
0x19: {  	s7 =	sld [smem:$0x3F9F]  }
0x1a: {  	s8 =	sadd.s32 $0xFFFFE003, lr  }
0x1b: {  	s9 =	sadd.s32 $0xFFFFFEF7, lr;
	s5 =	simm.s32 $0xFFFFFFFF;
	p2 =	slt.u32 s8, $0xFFFFF086  }
0x1c: {  	p1 =	slt.u32 s9, $0xF7A;
	s5 =	simm.s32 @!p2 $0x0  }
0x1d: {  	s5 =	simm.s32 @p1 $0x1;
	p0 =	seq.s32 s7, s2  }
0x1e: {  	s7 =	smul.u32 @!p0 $0xF7A, s2;
	p2 =	seq.s32 @!p0 s5, $0x0  }
0x1f: {  	s9 =	smul.u32 $0xF7A, s1;
	s8 =	simm.s32 @!p0 $0x1BF5;
	p2 =	por !p2, p0  }
0x20: {  	[sflag:s8] =	ssyncset.s32 @!p0 $0xFFFFF086;
	s6 =	sadd.s32 @!p0 s3, s7;
	s7 =	simm.s32 @!p0 $0x108  }
0x21: {  	s3 =	sadd.s32 s3, s9;
	s6 =	sadd.s32 @!p0 $0x88, s6;
	s7 =	simm.s32 @p2 $0x1082  }
0x22: {  	[simem:s7], [sflag:s8] =	dma.local @!p0 [hbm:s6], $0xF7A  }
0x23: {  	s9 =	sor.u32 $0xD0000000, s2;
	s6 =	simm.s32 $0x108;
	_ =	swait.ge @!p0 [sflag:s8], $0x0  }
0x24: {  	s3 =	sadd.s32 $0x88, s3;
	s6 =	simm.s32 @!p1 $0x1082;
	[sflag:s4] =	ssyncset.s32 $0xFFFFF086  }
0x25: {  	[simem:s6], [sflag:s4] =	dma.local [hbm:s3], $0xF7A  }
0x26: {  	[smem:$0x3F9F] =	sst s1;
	(tag) =	ssettag s2;
	_ =	strace s9  }
0x27: {  	s1 =	sld [smem:$0x3FAF]  }
0x28: {  	s2 =	sld [smem:$0x3FB0]  }
0x29: {  	s4 =	sld [smem:$0x3FB2]  }
0x2a: {  	p0 =	seq.s32 s5, $0x0;
	s5 =	sld [smem:$0x3FB3]  }
0x2b: {  	s6 =	sld [smem:$0x3FB4]  }
0x2c: {  	s7 =	sld [smem:$0x3FB5]  }
0x2d: {  	s3 =	simm.s32 $0x108;
	s8 =	sld [smem:$0x3FB6]  }
0x2e: {  	s3 =	simm.s32 @!p0 $0x1082;
	s9 =	sld [smem:$0x3FB7]  }
0x2f: {  	lr =	sadd.s32 s0, s3;
	s0 =	sld [smem:$0x3FAE]  }
0x30: {  	s3 =	sld [smem:$0x3FB1]  }
0x31: {  	[smem:$0x3FBA] =	sst s10  }
0x32: {  	s10 =	sld [smem:$0x3FB8];
	_ =	sdelay $0x3  }
0x33: {  	p0 =	seq.s32 s10, $0x1;
	s10 =	sld [smem:$0x3FBA];
	_ =	sdelay $0x3  }
0x34: {  	[smem:$0x3FBA] =	sst s10  }
0x35: {  	s10 =	sld [smem:$0x3FB9];
	_ =	sdelay $0x3  }
0x36: {  	p1 =	seq.s32 s10, $0x1;
	s10 =	sld [smem:$0x3FBA];
	_ =	sdelay $0x3  }
0x37: {  	[smem:$0x3FBA] =	sst s10  }
0x38: {  	s10 =	sld [smem:$0x3FBB]  }
0x39: {  	_ = 	snop;
	(pc) =	sbr.ind lr, $3  }
0x3a: {  	_ = 	snop  }
0x3b: {  	_ = 	snop  }
0x3c: {  	p2 =	seq.s32 s10, $0x1;
	s10 =	sld [smem:$0x3FBA]  }
0x3d: {  	_ =	shalt  }
0x3e: {  	_ =	shalt  }
0x3f: {  	_ =	shalt  }
0x40: {  	_ =	shalt  }
0x41: {  	_ =	shalt  }
0x42: {  	_ =	shalt  }
0x43: {  	_ =	shalt  }
0x44: {  	_ =	shalt  }
0x45: {  	_ =	shalt  }
0x46: {  	_ =	shalt  }
0x47: {  	_ =	shalt  }
0x48: {  	_ =	shalt  }
0x49: {  	_ =	shalt  }
0x4a: {  	_ =	shalt  }
0x4b: {  	_ =	shalt  }
0x4c: {  	_ =	shalt  }
0x4d: {  	_ =	shalt  }
0x4e: {  	_ =	shalt  }
0x4f: {  	_ =	shalt  }
0x50: {  	_ =	shalt  }
0x51: {  	_ =	shalt  }
0x52: {  	_ =	shalt  }
0x53: {  	_ =	shalt  }
0x54: {  	_ =	shalt  }
0x55: {  	_ =	shalt  }
0x56: {  	_ =	shalt  }
0x57: {  	_ =	shalt  }
0x58: {  	_ =	shalt  }
0x59: {  	_ =	shalt  }
0x5a: {  	_ =	shalt  }
0x5b: {  	_ =	shalt  }
0x5c: {  	_ =	shalt  }
0x5d: {  	_ =	shalt  }
0x5e: {  	_ =	shalt  }
0x5f: {  	_ =	shalt  }
0x60: {  	_ =	shalt  }
0x61: {  	_ =	shalt  }
0x62: {  	_ =	shalt  }
0x63: {  	_ =	shalt  }
0x64: {  	_ =	shalt  }
0x65: {  	_ =	shalt  }
0x66: {  	_ =	shalt  }
0x67: {  	_ =	shalt  }
0x68: {  	_ =	shalt  }
0x69: {  	_ =	shalt  }
0x6a: {  	_ =	shalt  }
0x6b: {  	_ =	shalt  }
0x6c: {  	_ =	shalt  }
0x6d: {  	_ =	shalt  }
0x6e: {  	_ =	shalt  }
0x6f: {  	_ =	shalt  }
0x70: {  	_ =	shalt  }
0x71: {  	_ =	shalt  }
0x72: {  	_ =	shalt  }
0x73: {  	_ =	shalt  }
0x74: {  	_ =	shalt  }
0x75: {  	_ =	shalt  }
0x76: {  	_ =	shalt  }
0x77: {  	_ =	shalt  }
0x78: {  	_ =	shalt  }
0x79: {  	_ =	shalt  }
0x7a: {  	_ =	shalt  }
0x7b: {  	_ =	shalt  }
0x7c: {  	_ =	shalt  }
0x7d: {  	_ =	shalt  }
0x7e: {  	_ =	shalt  }
0x7f: {  	_ =	shalt  }
0x80: {  	_ =	shalt  }
0x81: {  	_ =	shalt  }
0x82: {  	_ =	shalt  }
0x83: {  	_ =	shalt  }
0x84: {  	_ =	shalt  }
0x85: {  	_ =	shalt  }
0x86: {  	_ =	shalt  }
0x87: {  	_ =	shalt  }
.Lfunc_end0:
.L_simem_size_0:
called_computation.1_lowered:
.L_overlay_start_0:
0x88: {  	s2 =	sld [smem:$0x3FD9]  }
0x89: {  	s3 =	sld [smem:$0x3FFE];
	_ =	sdelay $0x1  }
0x8a: {  	s1 =	srdreg.scid  }
0x8b: {  	s0 =	sand.u32 $0x1, s1  }
0x8c: {  	s14 =	sshll.u32 s0, $0xA;
	s2 =	sadd.s32 s3, s2  }
0x8d: {  	s2 =	sadd.s32 s2, s14  }
0x8e: {  	[smem:$0x3FC6] =	sst s2  }
0x8f: {  	_ = 	snop  }
0x90: {  	s2 =	sld [smem:$0x3FD0];
	_ =	sdelay $0x2  }
0x91: {  	s15 =	simm.s32 $0xA;
	s4 =	simm.s32 $0x10  }
0x92: {  	[smem:s4], [sflag:s15] =	dma.local [hbm:s2], $0x1  }
0x93: {  	_ =	swait.eq [sflag:s15], $0x1  }
0x94: {  	[sflag:s15] =	ssyncset.done $0x0  }
0x95: {  	[sflag:s15] =	ssyncadd.s32 $0xFFFFFFFF  }
0x96: {  	s16 =	sld [smem:$0x13];
	(tm) =	ssettm $0x1  }
0x97: {  	s17 =	sld [smem:$0x3FFB];
	_ =	sdelay $0x3  }
0x98: {  	_ =	strace s17  }
0x99: {  	s3 =	sld [smem:$0x3FFC];
	_ =	sdelay $0x3  }
0x9a: {  	_ =	strace s3  }
0x9b: {  	s3 =	sld [smem:$0x3FFD];
	_ =	sdelay $0x3  }
0x9c: {  	_ =	strace s3  }
0x9d: {  	_ =	strace $0x8FFFFFFF  }
0x9e: {  	s18 =	sld [smem:$0x3FDB];
	_ =	sdelay $0x1  }
0x9f: {  	s19 =	simm.s32 $_scs_section_size  }
0xa0: {  	s5 =	simm.s32 $_size__tile_overlayer_lowered;
	s6 =	simm.s32 $_tile_overlayer_lowered  }
0xa1: {  	s22 =	simm.s32 $0x1BFF;
	s21 =	sshll.u32 s6, $0x1;
	s3 =	sadd.s32 s19, s18  }
0xa2: {  	s7 =	simm.s32 $0x0;
	s20 =	sshll.u32 s5, $0x1;
	s5 =	sadd.s32 s21, s3  }
0xa3: {  	[timem:s7], [sflag:s22] =	dma.local [hbm:s5], s20  }
0xa4: {  	_ =	swait.ge [sflag:s22], s20  }
0xa5: {  	s4 =	ssub.s32 $0x0, s20;
	[sflag:s22] =	ssyncset.done $0x0  }
0xa6: {  	[sflag:s22] =	ssyncadd.s32 s4;
	_ =	sdelay $0x1  }
0xa7: {  	s23 =	simm.s32 $0x1B8B  }
0xa8: {  	_ =	swait.ge [sflag:s23], $0x1  }
0xa9: {  	[sflag:s23] =	ssyncset.done $0x0  }
0xaa: {  	s25 =	simm.s32 $0x1B8E;
	s24 =	sld [smem:$0x3FFE];
	[sflag:s23] =	ssyncadd.s32 $0xFFFFFFFF  }
0xab: {  	s26 =	simm.s32 $execute0_lowered;
	[smem:$0x3FD2] =	sst s25  }
0xac: {  	s5 =	sshll.u32 s26, $0x1;
	_ =	strace $0x80000049;
	[dreg:$0x1] =	wrdreg $0xFFFFFFFF  }
0xad: {  	s28 =	simm.s32 $_size_execute0_lowered;
	s3 =	sadd.s32 s3, s5;
	[dreg:$0x0] =	wrdreg $0x0  }
0xae: {  	s5 =	sshll.u32 s28, $0x1;
	[dreg:$0x2] =	wrdreg s3  }
0xaf: {  	[dreg:$0x3] =	wrdreg s5  }
0xb0: {  	[dreg:$0x4] =	wrdreg $0xC0  }
0xb1: {  	_ =	task [dreg:s7], $0x5FFFF  }
0xb2: {  	[dreg:$0x1] =	wrdreg $0xFFFFFFFF  }
0xb3: {  	[dreg:$0x0] =	wrdreg $0x60  }
0xb4: {  	[dreg:$0x2] =	wrdreg s16  }
0xb5: {  	[dreg:$0x3] =	wrdreg s24  }
0xb6: {  	[dreg:$0x4] =	wrdreg $0x9  }
0xb7: {  	_ =	task.clear_ibuf [dreg:s7], $0x5FFFF;
	_ =	strace $0x90000049  }
0xb8: {  	s29 =	simm.s32 $0x9;
	_ =	strace $0x8000004B  }
0xb9: {  	_ =	swait.ge [sflag:s29], $0x1  }
0xba: {  	[sflag:s29] =	ssyncadd.s32 $0xFFFFFFFF  }
0xbb: {  	_ =	strace $0x9000004B  }
0xbc: {  	_ =	sfence  }
0xbd: {  	s30 =	sld [smem:$0x0];
	_ =	sdelay $0x2  }
0xbe: {  	s31 =	sshll.u32 s1, $0xD;
	s1 =	sshrl.u32 s1, $0x2  }
0xbf: {  	s3 =	sand.u32 $0x4000, s31;
	s1 =	sadd.s32 s1, s30  }
0xc0: {  	s0 =	sor.u32 s3, s0;
	s1 =	sshll.u32 s1, $0x11  }
0xc1: {  	s0 =	sor.u32 s1, s0  }
0xc2: {  	s0 =	sadd.s32 $0x8F2B, s0  }
0xc3: {  	[sflag:s0] =	ssyncadd.remote.s32 $0x1  }
0xc4: {  	_ =	sfence.sel $0xFFFF  }
0xc5: {  	[dreg:$0x0] =	wrdreg $0xFFFFFFFF;
	(pc) =	sbr.abs _section_cstart, $3  }
0xc6: {  	[dreg:$0x1] =	wrdreg $0xFFFFFFFF  }
0xc7: {  	_ =	task.clear_ibuf [dreg:s7], $0x2FFFF;
	_ =	strace $0x9FFFFFFF  }
0xc8: {  	(tm) =	ssettm $0x7FFFFFFF  }
0xc9: {  	_ =	shalt  }
tec
execute0_lowered:
.L_overlay_start_1:
0x0: {  	(tag) =	ssettag $0x1  }
0x1: {  	s6 =	rddreg [dreg:$0x0]  }
0x2: {  	s4 =	rddreg [dreg:$0x1];
	s2 =	srdreg.scid  }
0x3: {  	s0 =	rddreg [dreg:$0x2];
	s1 =	stileid.u32;
	s10 =	simm.s32 $0x1  }
0x4: {  	s11 =	simm.s32 $0x100;
	s3 =	sand.u32 $0x1, s2;
	s2 =	simm.s32 $0x0  }
0x5: {  	s5 =	sshll.u32 s1, $0x9;
	s7 =	sshll.u32 s3, $0x8;
	[smem:$0x7FF] =	sst s2  }
0x6: {  	v0 =	vlaneseq.u32;
	s30 =	ssub.s32 $0x2, s3;
	s3 =	sadd.s32 $0x2A00, s4;
	s5 =	sor.u32 s7, s5  }
0x7: {  	v0 =	vmul.u32 $0x400, v0;
	_ =	strace $0x8000004A;
	s9 =	sshrl.u32 s30, $0x1;
	s8 =	sshll.u32 s5, $0x7  }
0x8: {  	s9 =	ssub.s32 s30, s9;
	s31 =	sshrl.u32 s5, $0x3;
	s8 =	sadd.s32 s8, s4  }
0x9: {  	v1 =	vimm.f32 $1.000000000e+00;
	v2 =	vor.u32 $0x4000, v0;
	s6 =	sadd.s32 s6, s31;
	s4 =	sadd.s32 $0x104A00, s8;
	s5 =	sadd.s32 $0x106A00, s8  }
0xa: {  	v5 =	vimm.f32 $0.0e+00;
	v3 =	vor.u32 $0x8000, v0;
	v4 =	vor.u32 $0xC000, v0;
	s9 =	smax.u32 s9, $0x1;
	s7 =	sadd.s32 $0x108A00, s8;
	s8 =	sadd.s32 $0x10AA00, s8  }
.LBB2_1:
0xb: {  	[tilespmem:s2], [sflag:$0x1] =	stream.linear.gather [hbm4b:s6+s2], $0x100, $0x38;
	[tilespmem:$0x10100] =	vst v63  }
0xc: {  	_ =	swait.ge [sflag:s10], $0x100  }
0xd: {  	[sflag:s10] =	ssyncset.done $0x0  }
0xe: {  	[sflag:s10] =	ssyncadd.s32 $0xFFFFFF00  }
0xf: {  	[tilespmem:s11], [sflag:$0x1] =	stream.linear.gather [hbm4b:s3+s2], $0x10000, $0x38;
	[tilespmem:$0x10100] =	vst v63  }
0x10: {  	_ =	swait.ge [sflag:s10], $0x10000  }
0x11: {  	[sflag:s10] =	ssyncset.done $0x0  }
0x12: {  	[sflag:s10] =	ssyncadd.s32 $0xFFFF0000  }
0x13: {  	v6 =	vld [tilespmem:$0x0];
	_ =	sdelay $0x4  }
0x14: {  	v6 =	vadd.s32 v0, v6;
	_ =	sdelay $0x4  }
0x15: {  	[tilespmem:v6+s11+$0x0] =	vst.idx.msk $0xffff, v1  }
0x16: {  	v6 =	vld [tilespmem:$0x10];
	_ =	sdelay $0x4  }
0x17: {  	v6 =	vadd.s32 v2, v6;
	_ =	sdelay $0x4  }
0x18: {  	[tilespmem:v6+s11+$0x0] =	vst.idx.msk $0xffff, v1  }
0x19: {  	v6 =	vld [tilespmem:$0x20];
	_ =	sdelay $0x4  }
0x1a: {  	v6 =	vadd.s32 v3, v6;
	_ =	sdelay $0x4  }
0x1b: {  	[tilespmem:v6+s11+$0x0] =	vst.idx.msk $0xffff, v1  }
0x1c: {  	v6 =	vld [tilespmem:$0x30];
	_ =	sdelay $0x4  }
0x1d: {  	v6 =	vadd.s32 v4, v6;
	_ =	sdelay $0x4  }
0x1e: {  	[tilespmem:v6+s11+$0x0] =	vst.idx.msk $0xffff, v1  }
0x1f: {  	[hbm4b:s4+s2] =	stream.linear.scatter [tilespmem:s11], [sflag:$0x1], $0x10000, $0x38;
	[tilespmem:$0x10100] =	vst v63  }
0x20: {  	_ =	swait.ge [sflag:s10], $0x10000  }
0x21: {  	[sflag:s10] =	ssyncset.done $0x0  }
0x22: {  	[sflag:s10] =	ssyncadd.s32 $0xFFFF0000  }
0x23: {  	v6 =	vld [tilespmem:$0x0];
	_ =	sdelay $0x4  }
0x24: {  	v6 =	vadd.s32 v0, v6;
	_ =	sdelay $0x4  }
0x25: {  	[tilespmem:v6+s11+$0x0] =	vst.idx.msk $0xffff, v5  }
0x26: {  	v6 =	vld [tilespmem:$0x10];
	_ =	sdelay $0x4  }
0x27: {  	v6 =	vadd.s32 v2, v6;
	_ =	sdelay $0x4  }
0x28: {  	[tilespmem:v6+s11+$0x0] =	vst.idx.msk $0xffff, v5  }
0x29: {  	v6 =	vld [tilespmem:$0x20];
	_ =	sdelay $0x4  }
0x2a: {  	v6 =	vadd.s32 v3, v6;
	_ =	sdelay $0x4  }
0x2b: {  	[tilespmem:v6+s11+$0x0] =	vst.idx.msk $0xffff, v5  }
0x2c: {  	v6 =	vld [tilespmem:$0x30];
	_ =	sdelay $0x4  }
0x2d: {  	v6 =	vadd.s32 v4, v6;
	_ =	sdelay $0x4  }
0x2e: {  	[tilespmem:v6+s11+$0x0] =	vst.idx.msk $0xffff, v5  }
0x2f: {  	v6 =	vld [tilespmem:$0x40];
	_ =	sdelay $0x4  }
0x30: {  	v6 =	vadd.s32 v0, v6;
	_ =	sdelay $0x4  }
0x31: {  	[tilespmem:v6+s11+$0x0] =	vst.idx.msk $0xffff, v1  }
0x32: {  	v6 =	vld [tilespmem:$0x50];
	_ =	sdelay $0x4  }
0x33: {  	v6 =	vadd.s32 v2, v6;
	_ =	sdelay $0x4  }
0x34: {  	[tilespmem:v6+s11+$0x0] =	vst.idx.msk $0xffff, v1  }
0x35: {  	v6 =	vld [tilespmem:$0x60];
	_ =	sdelay $0x4  }
0x36: {  	v6 =	vadd.s32 v3, v6;
	_ =	sdelay $0x4  }
0x37: {  	[tilespmem:v6+s11+$0x0] =	vst.idx.msk $0xffff, v1  }
0x38: {  	v6 =	vld [tilespmem:$0x70];
	_ =	sdelay $0x4  }
0x39: {  	v6 =	vadd.s32 v4, v6;
	_ =	sdelay $0x4  }
0x3a: {  	[tilespmem:v6+s11+$0x0] =	vst.idx.msk $0xffff, v1  }
0x3b: {  	[hbm4b:s5+s2] =	stream.linear.scatter [tilespmem:s11], [sflag:$0x1], $0x10000, $0x38;
	[tilespmem:$0x10100] =	vst v63  }
0x3c: {  	_ =	swait.ge [sflag:s10], $0x10000  }
0x3d: {  	[sflag:s10] =	ssyncset.done $0x0  }
0x3e: {  	[sflag:s10] =	ssyncadd.s32 $0xFFFF0000  }
0x3f: {  	v6 =	vld [tilespmem:$0x40];
	_ =	sdelay $0x4  }
0x40: {  	v6 =	vadd.s32 v0, v6;
	_ =	sdelay $0x4  }
0x41: {  	[tilespmem:v6+s11+$0x0] =	vst.idx.msk $0xffff, v5  }
0x42: {  	v6 =	vld [tilespmem:$0x50];
	_ =	sdelay $0x4  }
0x43: {  	v6 =	vadd.s32 v2, v6;
	_ =	sdelay $0x4  }
0x44: {  	[tilespmem:v6+s11+$0x0] =	vst.idx.msk $0xffff, v5  }
0x45: {  	v6 =	vld [tilespmem:$0x60];
	_ =	sdelay $0x4  }
0x46: {  	v6 =	vadd.s32 v3, v6;
	_ =	sdelay $0x4  }
0x47: {  	[tilespmem:v6+s11+$0x0] =	vst.idx.msk $0xffff, v5  }
0x48: {  	v6 =	vld [tilespmem:$0x70];
	_ =	sdelay $0x4  }
0x49: {  	v6 =	vadd.s32 v4, v6;
	_ =	sdelay $0x4  }
0x4a: {  	[tilespmem:v6+s11+$0x0] =	vst.idx.msk $0xffff, v5  }
0x4b: {  	v6 =	vld [tilespmem:$0x80];
	_ =	sdelay $0x4  }
0x4c: {  	v6 =	vadd.s32 v0, v6;
	_ =	sdelay $0x4  }
0x4d: {  	[tilespmem:v6+s11+$0x0] =	vst.idx.msk $0xffff, v1  }
0x4e: {  	v6 =	vld [tilespmem:$0x90];
	_ =	sdelay $0x4  }
0x4f: {  	v6 =	vadd.s32 v2, v6;
	_ =	sdelay $0x4  }
0x50: {  	[tilespmem:v6+s11+$0x0] =	vst.idx.msk $0xffff, v1  }
0x51: {  	v6 =	vld [tilespmem:$0xA0];
	_ =	sdelay $0x4  }
0x52: {  	v6 =	vadd.s32 v3, v6;
	_ =	sdelay $0x4  }
0x53: {  	[tilespmem:v6+s11+$0x0] =	vst.idx.msk $0xffff, v1  }
0x54: {  	v6 =	vld [tilespmem:$0xB0];
	_ =	sdelay $0x4  }
0x55: {  	v6 =	vadd.s32 v4, v6;
	_ =	sdelay $0x4  }
0x56: {  	[tilespmem:v6+s11+$0x0] =	vst.idx.msk $0xffff, v1  }
0x57: {  	[hbm4b:s7+s2] =	stream.linear.scatter [tilespmem:s11], [sflag:$0x1], $0x10000, $0x38;
	[tilespmem:$0x10100] =	vst v63  }
0x58: {  	_ =	swait.ge [sflag:s10], $0x10000  }
0x59: {  	[sflag:s10] =	ssyncset.done $0x0  }
0x5a: {  	[sflag:s10] =	ssyncadd.s32 $0xFFFF0000  }
0x5b: {  	v6 =	vld [tilespmem:$0x80];
	_ =	sdelay $0x4  }
0x5c: {  	v6 =	vadd.s32 v0, v6;
	_ =	sdelay $0x4  }
0x5d: {  	[tilespmem:v6+s11+$0x0] =	vst.idx.msk $0xffff, v5  }
0x5e: {  	v6 =	vld [tilespmem:$0x90];
	_ =	sdelay $0x4  }
0x5f: {  	v6 =	vadd.s32 v2, v6;
	_ =	sdelay $0x4  }
0x60: {  	[tilespmem:v6+s11+$0x0] =	vst.idx.msk $0xffff, v5  }
0x61: {  	v6 =	vld [tilespmem:$0xA0];
	_ =	sdelay $0x4  }
0x62: {  	v6 =	vadd.s32 v3, v6;
	_ =	sdelay $0x4  }
0x63: {  	[tilespmem:v6+s11+$0x0] =	vst.idx.msk $0xffff, v5  }
0x64: {  	v6 =	vld [tilespmem:$0xB0];
	_ =	sdelay $0x4  }
0x65: {  	v6 =	vadd.s32 v4, v6;
	_ =	sdelay $0x4  }
0x66: {  	[tilespmem:v6+s11+$0x0] =	vst.idx.msk $0xffff, v5  }
0x67: {  	v6 =	vld [tilespmem:$0xC0];
	_ =	sdelay $0x4  }
0x68: {  	v6 =	vadd.s32 v0, v6;
	_ =	sdelay $0x4  }
0x69: {  	[tilespmem:v6+s11+$0x0] =	vst.idx.msk $0xffff, v1  }
0x6a: {  	v6 =	vld [tilespmem:$0xD0];
	_ =	sdelay $0x4  }
0x6b: {  	v6 =	vadd.s32 v2, v6;
	_ =	sdelay $0x4  }
0x6c: {  	[tilespmem:v6+s11+$0x0] =	vst.idx.msk $0xffff, v1  }
0x6d: {  	v6 =	vld [tilespmem:$0xE0];
	_ =	sdelay $0x4  }
0x6e: {  	v6 =	vadd.s32 v3, v6;
	_ =	sdelay $0x4  }
0x6f: {  	[tilespmem:v6+s11+$0x0] =	vst.idx.msk $0xffff, v1  }
0x70: {  	v6 =	vld [tilespmem:$0xF0];
	_ =	sdelay $0x4  }
0x71: {  	v6 =	vadd.s32 v4, v6;
	_ =	sdelay $0x3  }
0x72: {  	p0 =	sne.s32 s9, $0x1  }
.Ltmp0:
0x73: {  	[tilespmem:v6+s11+$0x0] =	vst.idx.msk $0xffff, v1;
	(pc) =	sbr.rel @p0 .LBB2_1-.Ltmp0, $4  }
0x74: {  	[hbm4b:s8+s2] =	stream.linear.scatter [tilespmem:s11], [sflag:$0x1], $0x10000, $0x38;
	[tilespmem:$0x10100] =	vst v63  }
0x75: {  	_ =	swait.ge [sflag:s10], $0x10000  }
0x76: {  	[sflag:s10] =	ssyncset.done $0x0  }
0x77: {  	s9 =	sadd.s32 $0xFFFFFFFF, s9;
	[sflag:s10] =	ssyncadd.s32 $0xFFFF0000  }
0x78: {  	_ =	sfence.sel $0x180000  }
0x79: {  	[bflag:$0x0] =	sbarrier.arrive $0xFFFF  }
0x7a: {  	p0 =	sne.s32 s1, $0x0;
	_ =	strace $0x9000004A  }
0x7b: {  	s0 =	sadd.s32 @!p0 $0x100000, s0;
	[bflag:$0x2] =	sbarrier.arrive $0xFFFF  }
0x7c: {  	[sflag:s0] =	ssyncadd.tile.s32 @!p0 $0x1;
	_ =	shalt  }
.Lfunc_end2:
_tile_overlayer_lowered:
.L_overlay_start_2:
0x7d: {  	(tag) =	ssettag $0x2  }
0x7e: {  	s0 =	rddreg [dreg:$0x0];
	s2 =	stileid.u32  }
0x7f: {  	s1 =	rddreg [dreg:$0x1];
	p0 =	sne.s32 s2, $0x0  }
0x80: {  	s3 =	rddreg [dreg:$0x2];
	[bflag:$0x3] =	sbarrier.arrive $0xFFFF;
	s2 =	simm.s32 @!p0 $0x1C01  }
0x81: {  	[timem:s3], [sflag:s2] =	dma.local @!p0 [hbm:s0], s1  }
0x82: {  	s0 =	simm.s32 @!p0 $0x1  }
0x83: {  	_ =	swait.ge @!p0 [sflag:s0], s1  }
0x84: {  	s1 =	ssub.s32 @!p0 $0x0, s1;
	[sflag:s0] =	ssyncset.done @!p0 $0x0  }
0x85: {  	[sflag:s0] =	ssyncadd.s32 @!p0 s1  }
0x86: {  	[bflag:$0x3] =	sbarrier.arrive $0xFFFF  }
0x87: {  	_ =	shalt  }

// kernel: kernel.7.cloned.1.call-start
scs
__scs_entry_jumppad:
0x0: {  	(pc) =	sbr.rel $0x88, $3  }
0x1: {  	(tag) =	ssettag $0x0;
	lr =	simm.s32 $0x1  }
0x2: {  	[smem:$0x3F9F] =	sst lr;
	_ =	strace $0xD0000000  }
0x3: {  	_ = 	snop  }
0x4: {  	_ = 	snop  }
0x5: {  	_ = 	snop  }
0x6: {  	_ = 	snop  }
0x7: {  	_ = 	snop  }
__scs_overlays_trampoline_lowered:
0x8: {  	[smem:$0x3FAE] =	sst s0  }
0x9: {  	[smem:$0x3FAF] =	sst s1  }
0xa: {  	[smem:$0x3FB0] =	sst s2  }
0xb: {  	[smem:$0x3FB1] =	sst s3  }
0xc: {  	[smem:$0x3FB2] =	sst s4  }
0xd: {  	[smem:$0x3FB3] =	sst s5  }
0xe: {  	[smem:$0x3FB4] =	sst s6  }
0xf: {  	[smem:$0x3FB5] =	sst s7  }
0x10: {  	[smem:$0x3FB6] =	sst s8  }
0x11: {  	[smem:$0x3FB7] =	sst s9;
	s0 =	simm.s32 @!p0 $0x0  }
0x12: {  	s1 =	sld [smem:$0x3F9D];
	s0 =	simm.s32 @p0 $0x1  }
0x13: {  	[smem:$0x3FB8] =	sst s0;
	s0 =	simm.s32 @!p1 $0x0  }
0x14: {  	s2 =	sld [smem:$0x3F9C];
	s0 =	simm.s32 @p1 $0x1  }
0x15: {  	[smem:$0x3FB9] =	sst s0;
	s0 =	simm.s32 @!p2 $0x0  }
0x16: {  	s3 =	sld [smem:$0x3FDB];
	s0 =	simm.s32 @p2 $0x1  }
0x17: {  	s4 =	simm.s32 $0x1BF5;
	[smem:$0x3FBB] =	sst s0  }
0x18: {  	s0 =	sld [smem:$0x3F9E];
	_ =	swait.ge [sflag:s4], $0x0  }
0x19: {  	s7 =	sld [smem:$0x3F9F]  }
0x1a: {  	s8 =	sadd.s32 $0xFFFFE003, lr  }
0x1b: {  	s9 =	sadd.s32 $0xFFFFFEF7, lr;
	s5 =	simm.s32 $0xFFFFFFFF;
	p2 =	slt.u32 s8, $0xFFFFF086  }
0x1c: {  	p1 =	slt.u32 s9, $0xF7A;
	s5 =	simm.s32 @!p2 $0x0  }
0x1d: {  	s5 =	simm.s32 @p1 $0x1;
	p0 =	seq.s32 s7, s2  }
0x1e: {  	s7 =	smul.u32 @!p0 $0xF7A, s2;
	p2 =	seq.s32 @!p0 s5, $0x0  }
0x1f: {  	s9 =	smul.u32 $0xF7A, s1;
	s8 =	simm.s32 @!p0 $0x1BF5;
	p2 =	por !p2, p0  }
0x20: {  	[sflag:s8] =	ssyncset.s32 @!p0 $0xFFFFF086;
	s6 =	sadd.s32 @!p0 s3, s7;
	s7 =	simm.s32 @!p0 $0x108  }
0x21: {  	s3 =	sadd.s32 s3, s9;
	s6 =	sadd.s32 @!p0 $0x88, s6;
	s7 =	simm.s32 @p2 $0x1082  }
0x22: {  	[simem:s7], [sflag:s8] =	dma.local @!p0 [hbm:s6], $0xF7A  }
0x23: {  	s9 =	sor.u32 $0xD0000000, s2;
	s6 =	simm.s32 $0x108;
	_ =	swait.ge @!p0 [sflag:s8], $0x0  }
0x24: {  	s3 =	sadd.s32 $0x88, s3;
	s6 =	simm.s32 @!p1 $0x1082;
	[sflag:s4] =	ssyncset.s32 $0xFFFFF086  }
0x25: {  	[simem:s6], [sflag:s4] =	dma.local [hbm:s3], $0xF7A  }
0x26: {  	[smem:$0x3F9F] =	sst s1;
	(tag) =	ssettag s2;
	_ =	strace s9  }
0x27: {  	s1 =	sld [smem:$0x3FAF]  }
0x28: {  	s2 =	sld [smem:$0x3FB0]  }
0x29: {  	s4 =	sld [smem:$0x3FB2]  }
0x2a: {  	p0 =	seq.s32 s5, $0x0;
	s5 =	sld [smem:$0x3FB3]  }
0x2b: {  	s6 =	sld [smem:$0x3FB4]  }
0x2c: {  	s7 =	sld [smem:$0x3FB5]  }
0x2d: {  	s3 =	simm.s32 $0x108;
	s8 =	sld [smem:$0x3FB6]  }
0x2e: {  	s3 =	simm.s32 @!p0 $0x1082;
	s9 =	sld [smem:$0x3FB7]  }
0x2f: {  	lr =	sadd.s32 s0, s3;
	s0 =	sld [smem:$0x3FAE]  }
0x30: {  	s3 =	sld [smem:$0x3FB1]  }
0x31: {  	[smem:$0x3FBA] =	sst s10  }
0x32: {  	s10 =	sld [smem:$0x3FB8];
	_ =	sdelay $0x3  }
0x33: {  	p0 =	seq.s32 s10, $0x1;
	s10 =	sld [smem:$0x3FBA];
	_ =	sdelay $0x3  }
0x34: {  	[smem:$0x3FBA] =	sst s10  }
0x35: {  	s10 =	sld [smem:$0x3FB9];
	_ =	sdelay $0x3  }
0x36: {  	p1 =	seq.s32 s10, $0x1;
	s10 =	sld [smem:$0x3FBA];
	_ =	sdelay $0x3  }
0x37: {  	[smem:$0x3FBA] =	sst s10  }
0x38: {  	s10 =	sld [smem:$0x3FBB]  }
0x39: {  	_ = 	snop;
	(pc) =	sbr.ind lr, $3  }
0x3a: {  	_ = 	snop  }
0x3b: {  	_ = 	snop  }
0x3c: {  	p2 =	seq.s32 s10, $0x1;
	s10 =	sld [smem:$0x3FBA]  }
0x3d: {  	_ =	shalt  }
0x3e: {  	_ =	shalt  }
0x3f: {  	_ =	shalt  }
0x40: {  	_ =	shalt  }
0x41: {  	_ =	shalt  }
0x42: {  	_ =	shalt  }
0x43: {  	_ =	shalt  }
0x44: {  	_ =	shalt  }
0x45: {  	_ =	shalt  }
0x46: {  	_ =	shalt  }
0x47: {  	_ =	shalt  }
0x48: {  	_ =	shalt  }
0x49: {  	_ =	shalt  }
0x4a: {  	_ =	shalt  }
0x4b: {  	_ =	shalt  }
0x4c: {  	_ =	shalt  }
0x4d: {  	_ =	shalt  }
0x4e: {  	_ =	shalt  }
0x4f: {  	_ =	shalt  }
0x50: {  	_ =	shalt  }
0x51: {  	_ =	shalt  }
0x52: {  	_ =	shalt  }
0x53: {  	_ =	shalt  }
0x54: {  	_ =	shalt  }
0x55: {  	_ =	shalt  }
0x56: {  	_ =	shalt  }
0x57: {  	_ =	shalt  }
0x58: {  	_ =	shalt  }
0x59: {  	_ =	shalt  }
0x5a: {  	_ =	shalt  }
0x5b: {  	_ =	shalt  }
0x5c: {  	_ =	shalt  }
0x5d: {  	_ =	shalt  }
0x5e: {  	_ =	shalt  }
0x5f: {  	_ =	shalt  }
0x60: {  	_ =	shalt  }
0x61: {  	_ =	shalt  }
0x62: {  	_ =	shalt  }
0x63: {  	_ =	shalt  }
0x64: {  	_ =	shalt  }
0x65: {  	_ =	shalt  }
0x66: {  	_ =	shalt  }
0x67: {  	_ =	shalt  }
0x68: {  	_ =	shalt  }
0x69: {  	_ =	shalt  }
0x6a: {  	_ =	shalt  }
0x6b: {  	_ =	shalt  }
0x6c: {  	_ =	shalt  }
0x6d: {  	_ =	shalt  }
0x6e: {  	_ =	shalt  }
0x6f: {  	_ =	shalt  }
0x70: {  	_ =	shalt  }
0x71: {  	_ =	shalt  }
0x72: {  	_ =	shalt  }
0x73: {  	_ =	shalt  }
0x74: {  	_ =	shalt  }
0x75: {  	_ =	shalt  }
0x76: {  	_ =	shalt  }
0x77: {  	_ =	shalt  }
0x78: {  	_ =	shalt  }
0x79: {  	_ =	shalt  }
0x7a: {  	_ =	shalt  }
0x7b: {  	_ =	shalt  }
0x7c: {  	_ =	shalt  }
0x7d: {  	_ =	shalt  }
0x7e: {  	_ =	shalt  }
0x7f: {  	_ =	shalt  }
0x80: {  	_ =	shalt  }
0x81: {  	_ =	shalt  }
0x82: {  	_ =	shalt  }
0x83: {  	_ =	shalt  }
0x84: {  	_ =	shalt  }
0x85: {  	_ =	shalt  }
0x86: {  	_ =	shalt  }
0x87: {  	_ =	shalt  }
.Lfunc_end0:
.L_simem_size_0:
called_computation_lowered:
.L_overlay_start_0:
0x88: {  	s2 =	sld [smem:$0x3FD9]  }
0x89: {  	s3 =	sld [smem:$0x3FFE];
	_ =	sdelay $0x1  }
0x8a: {  	s1 =	srdreg.scid  }
0x8b: {  	s0 =	sand.u32 $0x1, s1  }
0x8c: {  	s14 =	sshll.u32 s0, $0xA;
	s2 =	sadd.s32 s3, s2  }
0x8d: {  	s2 =	sadd.s32 s2, s14  }
0x8e: {  	[smem:$0x3FC6] =	sst s2  }
0x8f: {  	_ = 	snop  }
0x90: {  	s2 =	sld [smem:$0x3FD0];
	_ =	sdelay $0x2  }
0x91: {  	s15 =	simm.s32 $0xA;
	s4 =	simm.s32 $0x10  }
0x92: {  	[smem:s4], [sflag:s15] =	dma.local [hbm:s2], $0x1  }
0x93: {  	_ =	swait.eq [sflag:s15], $0x1  }
0x94: {  	[sflag:s15] =	ssyncset.done $0x0  }
0x95: {  	[sflag:s15] =	ssyncadd.s32 $0xFFFFFFFF  }
0x96: {  	s16 =	sld [smem:$0x14];
	(tm) =	ssettm $0x1  }
0x97: {  	s17 =	sld [smem:$0x3FFB];
	_ =	sdelay $0x3  }
0x98: {  	_ =	strace s17  }
0x99: {  	s3 =	sld [smem:$0x3FFC];
	_ =	sdelay $0x3  }
0x9a: {  	_ =	strace s3  }
0x9b: {  	s3 =	sld [smem:$0x3FFD];
	_ =	sdelay $0x3  }
0x9c: {  	_ =	strace s3  }
0x9d: {  	_ =	strace $0x8FFFFFFF  }
0x9e: {  	s18 =	sld [smem:$0x3FDB];
	_ =	sdelay $0x1  }
0x9f: {  	s19 =	simm.s32 $_scs_section_size  }
0xa0: {  	s5 =	simm.s32 $_size__tile_overlayer_lowered;
	s6 =	simm.s32 $_tile_overlayer_lowered  }
0xa1: {  	s22 =	simm.s32 $0x1BFF;
	s21 =	sshll.u32 s6, $0x1;
	s3 =	sadd.s32 s19, s18  }
0xa2: {  	s7 =	simm.s32 $0x0;
	s20 =	sshll.u32 s5, $0x1;
	s5 =	sadd.s32 s21, s3  }
0xa3: {  	[timem:s7], [sflag:s22] =	dma.local [hbm:s5], s20  }
0xa4: {  	_ =	swait.ge [sflag:s22], s20  }
0xa5: {  	s4 =	ssub.s32 $0x0, s20;
	[sflag:s22] =	ssyncset.done $0x0  }
0xa6: {  	[sflag:s22] =	ssyncadd.s32 s4;
	_ =	sdelay $0x1  }
0xa7: {  	s23 =	simm.s32 $0x1B8B  }
0xa8: {  	_ =	swait.ge [sflag:s23], $0x1  }
0xa9: {  	[sflag:s23] =	ssyncset.done $0x0  }
0xaa: {  	s25 =	simm.s32 $0x1B8E;
	s24 =	sld [smem:$0x3FFE];
	[sflag:s23] =	ssyncadd.s32 $0xFFFFFFFF  }
0xab: {  	s26 =	simm.s32 $execute0_lowered;
	[smem:$0x3FD2] =	sst s25  }
0xac: {  	s5 =	sshll.u32 s26, $0x1;
	_ =	strace $0x80000046;
	[dreg:$0x1] =	wrdreg $0xFFFFFFFF  }
0xad: {  	s28 =	simm.s32 $_size_execute0_lowered;
	s3 =	sadd.s32 s3, s5;
	[dreg:$0x0] =	wrdreg $0x0  }
0xae: {  	s5 =	sshll.u32 s28, $0x1;
	[dreg:$0x2] =	wrdreg s3  }
0xaf: {  	[dreg:$0x3] =	wrdreg s5  }
0xb0: {  	[dreg:$0x4] =	wrdreg $0xC0  }
0xb1: {  	_ =	task [dreg:s7], $0x5FFFF  }
0xb2: {  	[dreg:$0x1] =	wrdreg $0xFFFFFFFF  }
0xb3: {  	[dreg:$0x0] =	wrdreg $0x60  }
0xb4: {  	[dreg:$0x2] =	wrdreg s16  }
0xb5: {  	[dreg:$0x3] =	wrdreg s24  }
0xb6: {  	[dreg:$0x4] =	wrdreg $0x9  }
0xb7: {  	_ =	task.clear_ibuf [dreg:s7], $0x5FFFF;
	_ =	strace $0x90000046  }
0xb8: {  	s29 =	simm.s32 $0x9;
	_ =	strace $0x80000048  }
0xb9: {  	_ =	swait.ge [sflag:s29], $0x1  }
0xba: {  	[sflag:s29] =	ssyncadd.s32 $0xFFFFFFFF  }
0xbb: {  	_ =	strace $0x90000048  }
0xbc: {  	_ =	sfence  }
0xbd: {  	s30 =	sld [smem:$0x0];
	_ =	sdelay $0x2  }
0xbe: {  	s31 =	sshll.u32 s1, $0xD;
	s1 =	sshrl.u32 s1, $0x2  }
0xbf: {  	s3 =	sand.u32 $0x4000, s31;
	s1 =	sadd.s32 s1, s30  }
0xc0: {  	s0 =	sor.u32 s3, s0;
	s1 =	sshll.u32 s1, $0x11  }
0xc1: {  	s0 =	sor.u32 s1, s0  }
0xc2: {  	s0 =	sadd.s32 $0x8F2B, s0  }
0xc3: {  	[sflag:s0] =	ssyncadd.remote.s32 $0x1  }
0xc4: {  	_ =	sfence.sel $0xFFFF  }
0xc5: {  	[dreg:$0x0] =	wrdreg $0xFFFFFFFF;
	(pc) =	sbr.abs _section_cstart, $3  }
0xc6: {  	[dreg:$0x1] =	wrdreg $0xFFFFFFFF  }
0xc7: {  	_ =	task.clear_ibuf [dreg:s7], $0x2FFFF;
	_ =	strace $0x9FFFFFFF  }
0xc8: {  	(tm) =	ssettm $0x7FFFFFFF  }
0xc9: {  	_ =	shalt  }
tec
execute0_lowered:
.L_overlay_start_1:
0x0: {  	(tag) =	ssettag $0x1  }
0x1: {  	s4 =	rddreg [dreg:$0x0]  }
0x2: {  	s5 =	rddreg [dreg:$0x1]  }
0x3: {  	s0 =	rddreg [dreg:$0x2];
	s2 =	simm.s32 $0x0;
	s3 =	srdreg.scid  }
0x4: {  	s1 =	stileid.u32;
	s10 =	simm.s32 $0x1;
	s11 =	simm.s32 $0x100  }
0x5: {  	[smem:$0x7FF] =	sst s2;
	s6 =	sand.u32 $0x1, s3;
	s30 =	sshll.u32 s1, $0x1  }
0x6: {  	s3 =	sadd.s32 $0x2A00, s5;
	s7 =	sor.u32 s6, s30;
	s6 =	ssub.s32 $0x2, s6  }
0x7: {  	v0 =	vlaneseq.u32;
	_ =	strace $0x80000047;
	s8 =	sshll.u32 s7, $0xF;
	s31 =	sshrl.u32 s6, $0x1  }
0x8: {  	v0 =	vmul.u32 $0x400, v0;
	s7 =	sshll.u32 s7, $0x5;
	s8 =	sadd.s32 s8, s5;
	s9 =	ssub.s32 s6, s31  }
0x9: {  	v1 =	vimm.f32 $1.000000000e+00;
	v5 =	vimm.f32 $0.0e+00;
	s4 =	sadd.s32 s4, s7;
	s5 =	sadd.s32 $0x4A00, s8;
	s6 =	sadd.s32 $0x6A00, s8  }
0xa: {  	v2 =	vor.u32 $0x4000, v0;
	v3 =	vor.u32 $0x8000, v0;
	v4 =	vor.u32 $0xC000, v0;
	s7 =	sadd.s32 $0x8A00, s8;
	s8 =	sadd.s32 $0xAA00, s8;
	s9 =	smax.u32 s9, $0x1  }
.LBB2_1:
0xb: {  	[tilespmem:s2], [sflag:$0x1] =	stream.linear.gather [hbm4b:s4+s2], $0x100, $0x38;
	[tilespmem:$0x10100] =	vst v63  }
0xc: {  	_ =	swait.ge [sflag:s10], $0x100  }
0xd: {  	[sflag:s10] =	ssyncset.done $0x0  }
0xe: {  	[sflag:s10] =	ssyncadd.s32 $0xFFFFFF00  }
0xf: {  	[tilespmem:s11], [sflag:$0x1] =	stream.linear.gather [hbm4b:s3+s2], $0x10000, $0x38;
	[tilespmem:$0x10100] =	vst v63  }
0x10: {  	_ =	swait.ge [sflag:s10], $0x10000  }
0x11: {  	[sflag:s10] =	ssyncset.done $0x0  }
0x12: {  	[sflag:s10] =	ssyncadd.s32 $0xFFFF0000  }
0x13: {  	v6 =	vld [tilespmem:$0x0];
	_ =	sdelay $0x4  }
0x14: {  	v6 =	vadd.s32 v0, v6;
	_ =	sdelay $0x4  }
0x15: {  	[tilespmem:v6+s11+$0x0] =	vst.idx.msk $0xffff, v1  }
0x16: {  	v6 =	vld [tilespmem:$0x10];
	_ =	sdelay $0x4  }
0x17: {  	v6 =	vadd.s32 v2, v6;
	_ =	sdelay $0x4  }
0x18: {  	[tilespmem:v6+s11+$0x0] =	vst.idx.msk $0xffff, v1  }
0x19: {  	v6 =	vld [tilespmem:$0x20];
	_ =	sdelay $0x4  }
0x1a: {  	v6 =	vadd.s32 v3, v6;
	_ =	sdelay $0x4  }
0x1b: {  	[tilespmem:v6+s11+$0x0] =	vst.idx.msk $0xffff, v1  }
0x1c: {  	v6 =	vld [tilespmem:$0x30];
	_ =	sdelay $0x4  }
0x1d: {  	v6 =	vadd.s32 v4, v6;
	_ =	sdelay $0x4  }
0x1e: {  	[tilespmem:v6+s11+$0x0] =	vst.idx.msk $0xffff, v1  }
0x1f: {  	[hbm4b:s5+s2] =	stream.linear.scatter [tilespmem:s11], [sflag:$0x1], $0x10000, $0x38;
	[tilespmem:$0x10100] =	vst v63  }
0x20: {  	_ =	swait.ge [sflag:s10], $0x10000  }
0x21: {  	[sflag:s10] =	ssyncset.done $0x0  }
0x22: {  	[sflag:s10] =	ssyncadd.s32 $0xFFFF0000  }
0x23: {  	v6 =	vld [tilespmem:$0x0];
	_ =	sdelay $0x4  }
0x24: {  	v6 =	vadd.s32 v0, v6;
	_ =	sdelay $0x4  }
0x25: {  	[tilespmem:v6+s11+$0x0] =	vst.idx.msk $0xffff, v5  }
0x26: {  	v6 =	vld [tilespmem:$0x10];
	_ =	sdelay $0x4  }
0x27: {  	v6 =	vadd.s32 v2, v6;
	_ =	sdelay $0x4  }
0x28: {  	[tilespmem:v6+s11+$0x0] =	vst.idx.msk $0xffff, v5  }
0x29: {  	v6 =	vld [tilespmem:$0x20];
	_ =	sdelay $0x4  }
0x2a: {  	v6 =	vadd.s32 v3, v6;
	_ =	sdelay $0x4  }
0x2b: {  	[tilespmem:v6+s11+$0x0] =	vst.idx.msk $0xffff, v5  }
0x2c: {  	v6 =	vld [tilespmem:$0x30];
	_ =	sdelay $0x4  }
0x2d: {  	v6 =	vadd.s32 v4, v6;
	_ =	sdelay $0x4  }
0x2e: {  	[tilespmem:v6+s11+$0x0] =	vst.idx.msk $0xffff, v5  }
0x2f: {  	v6 =	vld [tilespmem:$0x40];
	_ =	sdelay $0x4  }
0x30: {  	v6 =	vadd.s32 v0, v6;
	_ =	sdelay $0x4  }
0x31: {  	[tilespmem:v6+s11+$0x0] =	vst.idx.msk $0xffff, v1  }
0x32: {  	v6 =	vld [tilespmem:$0x50];
	_ =	sdelay $0x4  }
0x33: {  	v6 =	vadd.s32 v2, v6;
	_ =	sdelay $0x4  }
0x34: {  	[tilespmem:v6+s11+$0x0] =	vst.idx.msk $0xffff, v1  }
0x35: {  	v6 =	vld [tilespmem:$0x60];
	_ =	sdelay $0x4  }
0x36: {  	v6 =	vadd.s32 v3, v6;
	_ =	sdelay $0x4  }
0x37: {  	[tilespmem:v6+s11+$0x0] =	vst.idx.msk $0xffff, v1  }
0x38: {  	v6 =	vld [tilespmem:$0x70];
	_ =	sdelay $0x4  }
0x39: {  	v6 =	vadd.s32 v4, v6;
	_ =	sdelay $0x4  }
0x3a: {  	[tilespmem:v6+s11+$0x0] =	vst.idx.msk $0xffff, v1  }
0x3b: {  	[hbm4b:s6+s2] =	stream.linear.scatter [tilespmem:s11], [sflag:$0x1], $0x10000, $0x38;
	[tilespmem:$0x10100] =	vst v63  }
0x3c: {  	_ =	swait.ge [sflag:s10], $0x10000  }
0x3d: {  	[sflag:s10] =	ssyncset.done $0x0  }
0x3e: {  	[sflag:s10] =	ssyncadd.s32 $0xFFFF0000  }
0x3f: {  	v6 =	vld [tilespmem:$0x40];
	_ =	sdelay $0x4  }
0x40: {  	v6 =	vadd.s32 v0, v6;
	_ =	sdelay $0x4  }
0x41: {  	[tilespmem:v6+s11+$0x0] =	vst.idx.msk $0xffff, v5  }
0x42: {  	v6 =	vld [tilespmem:$0x50];
	_ =	sdelay $0x4  }
0x43: {  	v6 =	vadd.s32 v2, v6;
	_ =	sdelay $0x4  }
0x44: {  	[tilespmem:v6+s11+$0x0] =	vst.idx.msk $0xffff, v5  }
0x45: {  	v6 =	vld [tilespmem:$0x60];
	_ =	sdelay $0x4  }
0x46: {  	v6 =	vadd.s32 v3, v6;
	_ =	sdelay $0x4  }
0x47: {  	[tilespmem:v6+s11+$0x0] =	vst.idx.msk $0xffff, v5  }
0x48: {  	v6 =	vld [tilespmem:$0x70];
	_ =	sdelay $0x4  }
0x49: {  	v6 =	vadd.s32 v4, v6;
	_ =	sdelay $0x4  }
0x4a: {  	[tilespmem:v6+s11+$0x0] =	vst.idx.msk $0xffff, v5  }
0x4b: {  	v6 =	vld [tilespmem:$0x80];
	_ =	sdelay $0x4  }
0x4c: {  	v6 =	vadd.s32 v0, v6;
	_ =	sdelay $0x4  }
0x4d: {  	[tilespmem:v6+s11+$0x0] =	vst.idx.msk $0xffff, v1  }
0x4e: {  	v6 =	vld [tilespmem:$0x90];
	_ =	sdelay $0x4  }
0x4f: {  	v6 =	vadd.s32 v2, v6;
	_ =	sdelay $0x4  }
0x50: {  	[tilespmem:v6+s11+$0x0] =	vst.idx.msk $0xffff, v1  }
0x51: {  	v6 =	vld [tilespmem:$0xA0];
	_ =	sdelay $0x4  }
0x52: {  	v6 =	vadd.s32 v3, v6;
	_ =	sdelay $0x4  }
0x53: {  	[tilespmem:v6+s11+$0x0] =	vst.idx.msk $0xffff, v1  }
0x54: {  	v6 =	vld [tilespmem:$0xB0];
	_ =	sdelay $0x4  }
0x55: {  	v6 =	vadd.s32 v4, v6;
	_ =	sdelay $0x4  }
0x56: {  	[tilespmem:v6+s11+$0x0] =	vst.idx.msk $0xffff, v1  }
0x57: {  	[hbm4b:s7+s2] =	stream.linear.scatter [tilespmem:s11], [sflag:$0x1], $0x10000, $0x38;
	[tilespmem:$0x10100] =	vst v63  }
0x58: {  	_ =	swait.ge [sflag:s10], $0x10000  }
0x59: {  	[sflag:s10] =	ssyncset.done $0x0  }
0x5a: {  	[sflag:s10] =	ssyncadd.s32 $0xFFFF0000  }
0x5b: {  	v6 =	vld [tilespmem:$0x80];
	_ =	sdelay $0x4  }
0x5c: {  	v6 =	vadd.s32 v0, v6;
	_ =	sdelay $0x4  }
0x5d: {  	[tilespmem:v6+s11+$0x0] =	vst.idx.msk $0xffff, v5  }
0x5e: {  	v6 =	vld [tilespmem:$0x90];
	_ =	sdelay $0x4  }
0x5f: {  	v6 =	vadd.s32 v2, v6;
	_ =	sdelay $0x4  }
0x60: {  	[tilespmem:v6+s11+$0x0] =	vst.idx.msk $0xffff, v5  }
0x61: {  	v6 =	vld [tilespmem:$0xA0];
	_ =	sdelay $0x4  }
0x62: {  	v6 =	vadd.s32 v3, v6;
	_ =	sdelay $0x4  }
0x63: {  	[tilespmem:v6+s11+$0x0] =	vst.idx.msk $0xffff, v5  }
0x64: {  	v6 =	vld [tilespmem:$0xB0];
	_ =	sdelay $0x4  }
0x65: {  	v6 =	vadd.s32 v4, v6;
	_ =	sdelay $0x4  }
0x66: {  	[tilespmem:v6+s11+$0x0] =	vst.idx.msk $0xffff, v5  }
0x67: {  	v6 =	vld [tilespmem:$0xC0];
	_ =	sdelay $0x4  }
0x68: {  	v6 =	vadd.s32 v0, v6;
	_ =	sdelay $0x4  }
0x69: {  	[tilespmem:v6+s11+$0x0] =	vst.idx.msk $0xffff, v1  }
0x6a: {  	v6 =	vld [tilespmem:$0xD0];
	_ =	sdelay $0x4  }
0x6b: {  	v6 =	vadd.s32 v2, v6;
	_ =	sdelay $0x4  }
0x6c: {  	[tilespmem:v6+s11+$0x0] =	vst.idx.msk $0xffff, v1  }
0x6d: {  	v6 =	vld [tilespmem:$0xE0];
	_ =	sdelay $0x4  }
0x6e: {  	v6 =	vadd.s32 v3, v6;
	_ =	sdelay $0x4  }
0x6f: {  	[tilespmem:v6+s11+$0x0] =	vst.idx.msk $0xffff, v1  }
0x70: {  	v6 =	vld [tilespmem:$0xF0];
	_ =	sdelay $0x4  }
0x71: {  	v6 =	vadd.s32 v4, v6;
	_ =	sdelay $0x3  }
0x72: {  	p0 =	sne.s32 s9, $0x1  }
.Ltmp0:
0x73: {  	[tilespmem:v6+s11+$0x0] =	vst.idx.msk $0xffff, v1;
	(pc) =	sbr.rel @p0 .LBB2_1-.Ltmp0, $4  }
0x74: {  	[hbm4b:s8+s2] =	stream.linear.scatter [tilespmem:s11], [sflag:$0x1], $0x10000, $0x38;
	[tilespmem:$0x10100] =	vst v63  }
0x75: {  	_ =	swait.ge [sflag:s10], $0x10000  }
0x76: {  	[sflag:s10] =	ssyncset.done $0x0  }
0x77: {  	s9 =	sadd.s32 $0xFFFFFFFF, s9;
	[sflag:s10] =	ssyncadd.s32 $0xFFFF0000  }
0x78: {  	_ =	sfence.sel $0x180000  }
0x79: {  	[bflag:$0x0] =	sbarrier.arrive $0xFFFF  }
0x7a: {  	p0 =	sne.s32 s1, $0x0;
	_ =	strace $0x90000047  }
0x7b: {  	s0 =	sadd.s32 @!p0 $0x100000, s0;
	[bflag:$0x2] =	sbarrier.arrive $0xFFFF  }
0x7c: {  	[sflag:s0] =	ssyncadd.tile.s32 @!p0 $0x1;
	_ =	shalt  }
.Lfunc_end2:
_tile_overlayer_lowered:
.L_overlay_start_2:
0x7d: {  	(tag) =	ssettag $0x2  }
0x7e: {  	s0 =	rddreg [dreg:$0x0];
	s2 =	stileid.u32  }
0x7f: {  	s1 =	rddreg [dreg:$0x1];
	p0 =	sne.s32 s2, $0x0  }
0x80: {  	s3 =	rddreg [dreg:$0x2];
	[bflag:$0x3] =	sbarrier.arrive $0xFFFF;
	s2 =	simm.s32 @!p0 $0x1C01  }
0x81: {  	[timem:s3], [sflag:s2] =	dma.local @!p0 [hbm:s0], s1  }
0x82: {  	s0 =	simm.s32 @!p0 $0x1  }
0x83: {  	_ =	swait.ge @!p0 [sflag:s0], s1  }
0x84: {  	s1 =	ssub.s32 @!p0 $0x0, s1;
	[sflag:s0] =	ssyncset.done @!p0 $0x0  }
0x85: {  	[sflag:s0] =	ssyncadd.s32 @!p0 s1  }
0x86: {  	[bflag:$0x3] =	sbarrier.arrive $0xFFFF  }
0x87: {  	_ =	shalt  }

</sc_bundles>
